<compile_context>
chip_gen: v7x
topology: tpu7x:2x2x1
jax: 0.10.2.dev20260603
libtpu: 0.0.44.dev20260713+nightly
codegen_flags: <defaults>
</compile_context>

<pallas_src>
import functools

import jax
import jax.numpy as jnp
from jax import lax
from jax.experimental import pallas as pl
from jax.experimental.pallas import tpu as pltpu
from jax.experimental.pallas import tpu_sc as plsc

N = 10000
NP = 10240
F = 256
FH = 128
E = 160000
P = 8000
NB = 10
A = 1000
R = NB * P
LOW, HIGH = 0.0, 480.0

NC, NS = 2, 16
NW = NC * NS
CH = 128
CP = 128
E2 = 163840
EC2 = E2 // CH
ECT_B = EC2 // NS
RH = R // 2
RP = 40960
RC2 = RP // CP
RCT = RC2 // NW
ECT_A = EC2 // NW
ROWS_PER_TILE = NP // NS

_mesh = plsc.VectorSubcoreMesh(core_axis_name="c", subcore_axis_name="s")



@functools.partial(
    pl.kernel, mesh=_mesh,
    out_type=jax.ShapeDtypeStruct((NC, NP, FH), jnp.float32),
    scratch_types=[pltpu.VMEM((ECT_A, CH), jnp.int32),
                   pltpu.VMEM((CH, FH), jnp.float32),
                   pltpu.VMEM_SHARED((NP, FH), jnp.float32),
                   pltpu.SemaphoreType.DMA],
)
def _sc_deg(dst2_hbm, ones_hbm, zeros_hbm, out_hbm, idx_all, ones_v, acc_sh, sem):
    c = lax.axis_index("c")
    s = lax.axis_index("s")
    wid = s * NC + c
    pltpu.sync_copy(ones_hbm, ones_v)
    sl = pl.ds(s * ROWS_PER_TILE, ROWS_PER_TILE)
    pltpu.sync_copy(zeros_hbm, acc_sh.at[sl])
    pltpu.sync_copy(dst2_hbm.at[pl.ds(wid * ECT_A, ECT_A)], idx_all)
    plsc.subcore_barrier()

    @pl.loop(0, ECT_A)
    def _(k):
        pltpu.sync_copy(ones_v, acc_sh.at[idx_all.at[k]], add=True)

    plsc.subcore_barrier()
    pltpu.sync_copy(acc_sh.at[sl], out_hbm.at[c].at[sl])


@functools.partial(
    pl.kernel, mesh=_mesh,
    out_type=jax.ShapeDtypeStruct((NC, NP, FH), jnp.float32),
    scratch_types=[pltpu.VMEM((ECT_B * CH,), jnp.int32),
                   pltpu.VMEM((ECT_B, CH), jnp.int32),
                   pltpu.VMEM((CH, FH), jnp.float32),
                   pltpu.VMEM_SHARED((NP, FH), jnp.float32),
                   pltpu.SemaphoreType.DMA],
)
def _sc_gcn_agg(src2_hbm, dst2_hbm, xsp_hbm, zeros_hbm, out_hbm,
                sidx_all, didx_all, rb0, acc_sh, g0):
    c = lax.axis_index("c")
    s = lax.axis_index("s")
    sl = pl.ds(s * ROWS_PER_TILE, ROWS_PER_TILE)
    pltpu.sync_copy(zeros_hbm, acc_sh.at[sl])
    pltpu.sync_copy(src2_hbm.at[pl.ds(s * ECT_B * CH, ECT_B * CH)], sidx_all)
    pltpu.sync_copy(dst2_hbm.at[pl.ds(s * ECT_B, ECT_B)], didx_all)
    plsc.subcore_barrier()
    tbl = xsp_hbm.at[c]

    @pl.loop(0, ECT_B)
    def _(k):
        pltpu.async_copy(tbl.at[sidx_all.at[pl.ds(k * CH, CH)]], rb0, g0).wait()
        pltpu.sync_copy(rb0, acc_sh.at[didx_all.at[k]], add=True)

    plsc.subcore_barrier()
    pltpu.sync_copy(acc_sh.at[sl], out_hbm.at[c].at[sl])


@functools.partial(
    pl.kernel, mesh=_mesh,
    out_type=jax.ShapeDtypeStruct((2, RP, F), jnp.float32),
    scratch_types=[pltpu.VMEM((RCT * CP,), jnp.int32),
                   pltpu.VMEM((RCT * CP,), jnp.int32),
                   pltpu.VMEM((CP, F), jnp.float32),
                   pltpu.VMEM((CP, F), jnp.float32),
                   pltpu.SemaphoreType.DMA,
                   pltpu.SemaphoreType.DMA],
)
def _sc_pair_gather(xs2_hbm, xd2_hbm, i02_hbm, i12_hbm, out_hbm,
                    i0v, i1v, ra, rb, g0, g1):
    c = lax.axis_index("c")
    s = lax.axis_index("s")
    wid = s * NC + c
    base = wid * RCT * CP
    pltpu.sync_copy(i02_hbm.at[pl.ds(base, RCT * CP)], i0v)
    pltpu.sync_copy(i12_hbm.at[pl.ds(base, RCT * CP)], i1v)

    @pl.loop(0, RCT)
    def _(k):
        rows = pl.ds(base + k * CP, CP)
        isl = pl.ds(k * CP, CP)
        cp0 = pltpu.async_copy(xs2_hbm.at[i0v.at[isl]], ra, g0)
        cp1 = pltpu.async_copy(xd2_hbm.at[i1v.at[isl]], rb, g1)
        cp0.wait()
        pltpu.sync_copy(ra, out_hbm.at[0].at[rows])
        cp1.wait()
        pltpu.sync_copy(rb, out_hbm.at[1].at[rows])



def _tc_scale_split(state, Wg, degp):
    BLK = 1000

    def body(st_ref, wg_ref, dg_ref, out_ref):
        xw = jnp.dot(st_ref[...], wg_ref[...], preferred_element_type=jnp.float32)
        deg = dg_ref[0][:, 0:1] + dg_ref[1][:, 0:1] + 1.0
        dinv = lax.rsqrt(deg)
        xs = xw * dinv
        out_ref[0] = xs[:, :FH]
        out_ref[1] = xs[:, FH:]

    return pl.pallas_call(
        body,
        grid=(N // BLK,),
        in_specs=[pl.BlockSpec((BLK, F), lambda i: (i, 0)),
                  pl.BlockSpec((F, F), lambda i: (0, 0)),
                  pl.BlockSpec((NC, BLK, FH), lambda i: (0, i, 0))],
        out_specs=pl.BlockSpec((NC, BLK, FH), lambda i: (0, i, 0)),
        out_shape=jax.ShapeDtypeStruct((NC, NP, FH), jnp.float32),
    )(state, Wg, degp)


def _tc_node_mlp_in(accp, xsp, degp, state, bg, W1t, W1b):
    BLK = 1000

    def body(ac_ref, xs_ref, dg_ref, st_ref, bg_ref, w1t_ref, w1b_ref,
             o1_ref, o2_ref):
        acc = jnp.concatenate([ac_ref[0], ac_ref[1]], axis=1)
        xs = jnp.concatenate([xs_ref[0], xs_ref[1]], axis=1)
        deg = dg_ref[0][:, 0:1] + dg_ref[1][:, 0:1] + 1.0
        dinv = lax.rsqrt(deg)
        gcn = (acc + xs) * dinv + bg_ref[...]
        x = jnp.maximum(gcn, 0.0) + st_ref[...]
        o1_ref[...] = jnp.dot(x, w1t_ref[...], preferred_element_type=jnp.float32)
        o2_ref[...] = jnp.dot(x, w1b_ref[...], preferred_element_type=jnp.float32)

    return pl.pallas_call(
        body,
        grid=(N // BLK,),
        in_specs=[pl.BlockSpec((NC, BLK, FH), lambda i: (0, i, 0)),
                  pl.BlockSpec((NC, BLK, FH), lambda i: (0, i, 0)),
                  pl.BlockSpec((NC, BLK, FH), lambda i: (0, i, 0)),
                  pl.BlockSpec((BLK, F), lambda i: (i, 0)),
                  pl.BlockSpec((F,), lambda i: (0,)),
                  pl.BlockSpec((F, F), lambda i: (0, 0)),
                  pl.BlockSpec((F, F), lambda i: (0, 0))],
        out_specs=[pl.BlockSpec((BLK, F), lambda i: (i, 0)),
                   pl.BlockSpec((BLK, F), lambda i: (i, 0))],
        out_shape=[jax.ShapeDtypeStruct((N, F), jnp.float32),
                   jax.ShapeDtypeStruct((N, F), jnp.float32)],
    )(accp, xsp, degp, state, bg, W1t, W1b)


def _tc_head(g2, b1, W2, b2, Wmu, bmu):
    BLK = 2000

    def body(g_ref, b1_ref, w2_ref, b2_ref, wmu_ref, bmu_ref, o_ref):
        h = g_ref[0] + g_ref[1] + b1_ref[...]
        h = jnp.where(h > 0, h, 0.01 * h)
        h2 = jnp.dot(h, w2_ref[...], preferred_element_type=jnp.float32) + b2_ref[...]
        h2 = jnp.where(h2 > 0, h2, 0.01 * h2)
        m = jnp.dot(h2, wmu_ref[...], preferred_element_type=jnp.float32) + bmu_ref[...]
        mu = jax.nn.softplus(m)
        act = (jnp.tanh(mu) + 1.0) * (0.5 * (HIGH - LOW)) + LOW
        o_ref[...] = jnp.clip(act, LOW, HIGH)

    return pl.pallas_call(
        body,
        grid=(RH // BLK,),
        in_specs=[pl.BlockSpec((2, BLK, F), lambda i: (0, i, 0)),
                  pl.BlockSpec((F,), lambda i: (0,)),
                  pl.BlockSpec((F, F), lambda i: (0, 0)),
                  pl.BlockSpec((F,), lambda i: (0,)),
                  pl.BlockSpec((F, 1), lambda i: (0, 0)),
                  pl.BlockSpec((1,), lambda i: (0,))],
        out_specs=pl.BlockSpec((BLK, 1), lambda i: (i, 0)),
        out_shape=jax.ShapeDtypeStruct((RH, 1), jnp.float32),
    )(g2, b1, W2, b2, Wmu, bmu)


def kernel(state, edge_index, edges, deterministic,
           Wg, bg, W1, b1, W2, b2, Wmu, bmu, Wsig, bsig):
    del deterministic, Wsig, bsig
    pad = E2 - E
    spread = jnp.arange(pad, dtype=jnp.int32)
    src2 = jnp.concatenate([edge_index[0], spread % N])
    dst2 = jnp.concatenate([edge_index[1], N + (spread % (NP - N))])
    onesH = jnp.ones((CH, FH), jnp.float32)
    zerosH = jnp.zeros((ROWS_PER_TILE, FH), jnp.float32)

    degp = _sc_deg(dst2.reshape(EC2, CH), onesH, zerosH)
    xsp = _tc_scale_split(state, Wg, degp)
    accp = _sc_gcn_agg(src2, dst2.reshape(EC2, CH), xsp, zerosH)
    xs2, xd2 = _tc_node_mlp_in(accp, xsp, degp, state, bg,
                               W1[:F, :], W1[F:, :])

    boff = (jnp.arange(NB, dtype=jnp.int32) * A)[:, None]
    rpad = (jnp.arange(RP - RH, dtype=jnp.int32) * 997) % N
    i0 = (boff + edges[:, 0][None, :]).reshape(-1)
    i1 = (boff + edges[:, 1][None, :]).reshape(-1)

    acts = []
    for h in range(2):
        i0h = jnp.concatenate([lax.dynamic_slice(i0, (h * RH,), (RH,)), rpad])
        i1h = jnp.concatenate([lax.dynamic_slice(i1, (h * RH,), (RH,)), rpad])
        g2 = _sc_pair_gather(xs2, xd2, i0h, i1h)
        acts.append(_tc_head(g2, b1, W2, b2, Wmu, bmu))
    act = jnp.concatenate(acts, axis=0)
    return act.reshape(NB, P)

# --- scband reference (transcript-rebuilt; emitter-appended) ---
"""Pipeline reference for scband-sac-1752346657365 (READ-ONLY COPY).

The authoritative reference and input builder live on the scoring server;
editing this copy changes nothing except your own understanding.
"""

import jax, jax.numpy as jnp
import numpy as np

N_NODES = 10000
ACT_DIM = 1000
IN_CH = 256
HID = 256
N_EDGES = 160000
N_PAIR = 8000
LOW = 0.0
HIGH = 480.0


def setup_inputs(seed: int = 0) -> dict:
    key = jax.random.key(seed)
    ks = jax.random.split(key, 16)
    inp = {}
    inp['state'] = jax.random.normal(ks[0], (N_NODES, IN_CH), dtype=jnp.float32)
    inp['edge_index'] = jax.random.randint(ks[1], (2, N_EDGES), 0, N_NODES, dtype=jnp.int32)
    inp['edges'] = jax.random.randint(ks[2], (N_PAIR, 2), 0, ACT_DIM, dtype=jnp.int32)
    inp['deterministic'] = True
    # learned parameters (GCNConv + MLP heads), scaled like default torch init
    inp['Wg'] = jax.random.normal(ks[3], (IN_CH, IN_CH), dtype=jnp.float32) / np.sqrt(IN_CH)
    inp['bg'] = jnp.zeros((IN_CH,), dtype=jnp.float32)
    inp['W1'] = jax.random.normal(ks[4], (2 * IN_CH, HID), dtype=jnp.float32) / np.sqrt(2 * IN_CH)
    inp['b1'] = jnp.zeros((HID,), dtype=jnp.float32)
    inp['W2'] = jax.random.normal(ks[5], (HID, HID), dtype=jnp.float32) / np.sqrt(HID)
    inp['b2'] = jnp.zeros((HID,), dtype=jnp.float32)
    inp['Wmu'] = jax.random.normal(ks[6], (HID, 1), dtype=jnp.float32) / np.sqrt(HID)
    inp['bmu'] = jnp.zeros((1,), dtype=jnp.float32)
    inp['Wsig'] = jax.random.normal(ks[7], (HID, 1), dtype=jnp.float32) / np.sqrt(HID)
    inp['bsig'] = jnp.zeros((1,), dtype=jnp.float32)
    return inp


def gcn_conv(x, edge_index, Wg, bg):
    # GCNConv with self-loops and symmetric normalization (PyG semantics)
    N = x.shape[0]
    loops = jnp.arange(N, dtype=edge_index.dtype)
    src = jnp.concatenate([edge_index[0], loops])
    dst = jnp.concatenate([edge_index[1], loops])
    xw = x @ Wg
    deg = jnp.zeros((N,), x.dtype).at[dst].add(1.0)
    dinv = jnp.where(deg > 0, jax.lax.rsqrt(deg), 0.0)
    norm = dinv[src] * dinv[dst]
    out = jnp.zeros_like(xw).at[dst].add(norm[:, None] * xw[src])
    return out + bg


def reference(state, edge_index, edges, deterministic, Wg, bg, W1, b1, W2, b2, Wmu, bmu, Wsig, bsig):
    out = jax.nn.relu(gcn_conv(state, edge_index, Wg, bg))
    x = out + state
    x = x.reshape(-1, ACT_DIM, IN_CH)
    ef_src = x[:, edges[:, 0], :]
    ef_dst = x[:, edges[:, 1], :]
    ef = jnp.concatenate([ef_src, ef_dst], axis=2)
    h = jax.nn.leaky_relu(ef @ W1 + b1, 0.01)
    h = jax.nn.leaky_relu(h @ W2 + b2, 0.01)
    mu = jax.nn.softplus(h @ Wmu + bmu)[..., 0]
    sigma = jax.nn.softplus(h @ Wsig + bsig)[..., 0]  # computed (as in torch) but unused on deterministic path
    # deterministic=True path: action = _squash(mu)
    action = (jnp.tanh(mu) + 1.0) / 2.0 * (HIGH - LOW) + LOW
    action = jnp.clip(action, LOW, HIGH)
    return action

if __name__ == "__main__":
    import jax
    _d = setup_inputs()
    print(jax.jit(kernel)(*tuple(_d.values())))

</pallas_src>

<mosaic_0001>
#map = affine_map<(d0, d1) -> (0, 0)>
#map1 = affine_map<(d0, d1) -> (0)>
#map2 = affine_map<(d0, d1) -> (0, 0, 0)>
module attributes {stable_mosaic.version = 14 : i64} {
  func.func @_sc_pair_gather(%arg0: i32, %arg1: i32, %arg2: memref<10000x256xf32, #tpu.memory_space<hbm>>, %arg3: memref<10000x256xf32, #tpu.memory_space<hbm>>, %arg4: memref<40960xi32, #tpu.memory_space<hbm>>, %arg5: memref<40960xi32, #tpu.memory_space<hbm>>, %arg6: memref<2x40960x256xf32, #tpu.memory_space<hbm>>, %arg7: memref<1280xi32, #tpu.memory_space<vmem>>, %arg8: memref<1280xi32, #tpu.memory_space<vmem>>, %arg9: memref<128x256xf32, #tpu.memory_space<vmem>>, %arg10: memref<128x256xf32, #tpu.memory_space<vmem>>, %arg11: memref<!tpu.dma_semaphore, #tpu.memory_space<semaphore_mem>>, %arg12: memref<!tpu.dma_semaphore, #tpu.memory_space<semaphore_mem>>) attributes {dimension_semantics = [#tpu.dimension_semantics<core_parallel>, #tpu.dimension_semantics<subcore_parallel>], iteration_bounds = array<i64: 2, 16>, scalar_prefetch = 0 : i64, scratch_operands = 6 : i64, tpu.core_type = #tpu.core_type<sc_vector_subcore>, window_params = [{transform_indices = #map}, {transform_indices = #map}, {transform_indices = #map1}, {transform_indices = #map1}, {transform_indices = #map2}]} {
    %mul3A = arith.constant 2 : i32
    %mul3A_0 = arith.muli %arg1, %mul3A : i32
    %add3A = arith.addi %mul3A_0, %arg0 : i32
    %mul3A_1 = arith.constant 10 : i32
    %mul3A_2 = arith.muli %add3A, %mul3A_1 : i32
    %mul3A_3 = arith.constant 128 : i32
    %mul3A_4 = arith.muli %mul3A_2, %mul3A_3 : i32
    "tpu.region"() ({
      %run_scoped3A = tpu.sem_alloc : memref<!tpu.dma_semaphore, #tpu.memory_space<semaphore_mem>>
      %dma_start3A = tpu.memref_slice %arg4[%mul3A_4] : memref<40960xi32, #tpu.memory_space<hbm>> -> memref<1280xi32, #tpu.memory_space<hbm>>
      %dma_start3A_9 = tpu.memref_slice %arg4[%mul3A_4] : memref<40960xi32, #tpu.memory_space<hbm>> -> memref<1280xi32, #tpu.memory_space<hbm>>
      tpu.enqueue_dma source(%dma_start3A_9 : memref<1280xi32, #tpu.memory_space<hbm>>) target(%arg7 : memref<1280xi32, #tpu.memory_space<vmem>>) target_semaphore(%run_scoped3A : memref<!tpu.dma_semaphore, #tpu.memory_space<semaphore_mem>>)
      %dma_wait3A = tpu.memref_slice %arg4[%mul3A_4] : memref<40960xi32, #tpu.memory_space<hbm>> -> memref<1280xi32, #tpu.memory_space<hbm>>
      %dma_wait3A_10 = tpu.memref_slice %arg4[%mul3A_4] : memref<40960xi32, #tpu.memory_space<hbm>> -> memref<1280xi32, #tpu.memory_space<hbm>>
      tpu.wait_dma2 semaphore(%run_scoped3A : memref<!tpu.dma_semaphore, #tpu.memory_space<semaphore_mem>>) src(%dma_wait3A_10 : memref<1280xi32, #tpu.memory_space<hbm>>) dst(%arg7 : memref<1280xi32, #tpu.memory_space<vmem>>)
      tpu.yield
    }) : () -> ()
    "tpu.region"() ({
      %run_scoped3A = tpu.sem_alloc : memref<!tpu.dma_semaphore, #tpu.memory_space<semaphore_mem>>
      %dma_start3A = tpu.memref_slice %arg5[%mul3A_4] : memref<40960xi32, #tpu.memory_space<hbm>> -> memref<1280xi32, #tpu.memory_space<hbm>>
      %dma_start3A_9 = tpu.memref_slice %arg5[%mul3A_4] : memref<40960xi32, #tpu.memory_space<hbm>> -> memref<1280xi32, #tpu.memory_space<hbm>>
      tpu.enqueue_dma source(%dma_start3A_9 : memref<1280xi32, #tpu.memory_space<hbm>>) target(%arg8 : memref<1280xi32, #tpu.memory_space<vmem>>) target_semaphore(%run_scoped3A : memref<!tpu.dma_semaphore, #tpu.memory_space<semaphore_mem>>)
      %dma_wait3A = tpu.memref_slice %arg5[%mul3A_4] : memref<40960xi32, #tpu.memory_space<hbm>> -> memref<1280xi32, #tpu.memory_space<hbm>>
      %dma_wait3A_10 = tpu.memref_slice %arg5[%mul3A_4] : memref<40960xi32, #tpu.memory_space<hbm>> -> memref<1280xi32, #tpu.memory_space<hbm>>
      tpu.wait_dma2 semaphore(%run_scoped3A : memref<!tpu.dma_semaphore, #tpu.memory_space<semaphore_mem>>) src(%dma_wait3A_10 : memref<1280xi32, #tpu.memory_space<hbm>>) dst(%arg8 : memref<1280xi32, #tpu.memory_space<vmem>>)
      tpu.yield
    }) : () -> ()
    %scan3A = arith.constant 0 : i32
    %scan3A_5 = arith.constant 10 : i32
    %scan3A_6 = arith.addi %scan3A, %scan3A_5 : i32
    %scan3A_7 = arith.constant 1 : i32
    scf.for %scan3A_9 = %scan3A to %scan3A_6 step %scan3A_7  : i32 {
      %mul3A_10 = arith.constant 1 : i32
      %mul3A_11 = arith.muli %scan3A_9, %mul3A_10 : i32
      %add3A_12 = arith.constant 0 : i32
      %add3A_13 = arith.addi %add3A_12, %mul3A_11 : i32
      %mul3A_14 = arith.constant 128 : i32
      %mul3A_15 = arith.muli %add3A_13, %mul3A_14 : i32
      %add3A_16 = arith.addi %mul3A_4, %mul3A_15 : i32
      %mul3A_17 = arith.constant 128 : i32
      %mul3A_18 = arith.muli %add3A_13, %mul3A_17 : i32
      %dma_start3A = tpu.memref_slice %arg7[%mul3A_18] : memref<1280xi32, #tpu.memory_space<vmem>> -> memref<128xi32, #tpu.memory_space<vmem>>
      %dma_start3A_19 = arith.constant 0 : i32
      %dma_start3A_20 = arith.constant 0 : i32
      %dma_start3A_21 = tpu.memref_slice %arg2[%dma_start3A_19, %dma_start3A_20] : memref<10000x256xf32, #tpu.memory_space<hbm>> -> memref<10000x256xf32, #tpu.memory_space<hbm>>
      tpu.enqueue_indirect_dma source(%dma_start3A_21 : memref<10000x256xf32, #tpu.memory_space<hbm>>) target(%arg9 : memref<128x256xf32, #tpu.memory_space<vmem>>) offsets(%dma_start3A : memref<128xi32, #tpu.memory_space<vmem>>) semaphore(%arg11 : memref<!tpu.dma_semaphore, #tpu.memory_space<semaphore_mem>>)
      %dma_start3A_22 = tpu.memref_slice %arg8[%mul3A_18] : memref<1280xi32, #tpu.memory_space<vmem>> -> memref<128xi32, #tpu.memory_space<vmem>>
      %dma_start3A_23 = arith.constant 0 : i32
      %dma_start3A_24 = arith.constant 0 : i32
      %dma_start3A_25 = tpu.memref_slice %arg3[%dma_start3A_23, %dma_start3A_24] : memref<10000x256xf32, #tpu.memory_space<hbm>> -> memref<10000x256xf32, #tpu.memory_space<hbm>>
      tpu.enqueue_indirect_dma source(%dma_start3A_25 : memref<10000x256xf32, #tpu.memory_space<hbm>>) target(%arg10 : memref<128x256xf32, #tpu.memory_space<vmem>>) offsets(%dma_start3A_22 : memref<128xi32, #tpu.memory_space<vmem>>) semaphore(%arg12 : memref<!tpu.dma_semaphore, #tpu.memory_space<semaphore_mem>>)
      %dma_wait3A = tpu.memref_slice %arg7[%mul3A_18] : memref<1280xi32, #tpu.memory_space<vmem>> -> memref<128xi32, #tpu.memory_space<vmem>>
      %dma_wait3A_26 = arith.constant 0 : i32
      %dma_wait3A_27 = arith.constant 0 : i32
      %dma_wait3A_28 = tpu.memref_slice %arg2[%dma_wait3A_26, %dma_wait3A_27] : memref<10000x256xf32, #tpu.memory_space<hbm>> -> memref<10000x256xf32, #tpu.memory_space<hbm>>
      tpu.wait_indirect_dma semaphore(%arg11 : memref<!tpu.dma_semaphore, #tpu.memory_space<semaphore_mem>>) src(%dma_wait3A_28 : memref<10000x256xf32, #tpu.memory_space<hbm>>) dst(%arg9 : memref<128x256xf32, #tpu.memory_space<vmem>>)
      %run_scoped3A = arith.constant 0 : i32
      "tpu.region"() ({
        %run_scoped3A_34 = tpu.sem_alloc : memref<!tpu.dma_semaphore, #tpu.memory_space<semaphore_mem>>
        %dma_start3A_35 = arith.constant 0 : i32
        %dma_start3A_36 = arith.constant 0 : i32
        %dma_start3A_37 = tpu.memref_slice %arg6[%run_scoped3A, %dma_start3A_35, %dma_start3A_36] : memref<2x40960x256xf32, #tpu.memory_space<hbm>> -> memref<1x40960x256xf32, #tpu.memory_space<hbm>>
        %dma_start3A_38 = tpu.memref_squeeze %dma_start3A_37 : memref<1x40960x256xf32, #tpu.memory_space<hbm>> -> memref<40960x256xf32, #tpu.memory_space<hbm>>
        %dma_start3A_39 = arith.constant 0 : i32
        %dma_start3A_40 = tpu.memref_slice %dma_start3A_38[%add3A_16, %dma_start3A_39] : memref<40960x256xf32, #tpu.memory_space<hbm>> -> memref<128x256xf32, #tpu.memory_space<hbm>>
        %dma_start3A_41 = arith.constant 0 : i32
        %dma_start3A_42 = arith.constant 0 : i32
        %dma_start3A_43 = tpu.memref_slice %arg6[%run_scoped3A, %dma_start3A_41, %dma_start3A_42] : memref<2x40960x256xf32, #tpu.memory_space<hbm>> -> memref<1x40960x256xf32, #tpu.memory_space<hbm>>
        %dma_start3A_44 = tpu.memref_squeeze %dma_start3A_43 : memref<1x40960x256xf32, #tpu.memory_space<hbm>> -> memref<40960x256xf32, #tpu.memory_space<hbm>>
        %dma_start3A_45 = arith.constant 0 : i32
        %dma_start3A_46 = tpu.memref_slice %dma_start3A_44[%add3A_16, %dma_start3A_45] : memref<40960x256xf32, #tpu.memory_space<hbm>> -> memref<128x256xf32, #tpu.memory_space<hbm>>
        tpu.enqueue_dma source(%arg9 : memref<128x256xf32, #tpu.memory_space<vmem>>) target(%dma_start3A_46 : memref<128x256xf32, #tpu.memory_space<hbm>>) target_semaphore(%run_scoped3A_34 : memref<!tpu.dma_semaphore, #tpu.memory_space<semaphore_mem>>)
        %dma_wait3A_47 = arith.constant 0 : i32
        %dma_wait3A_48 = arith.constant 0 : i32
        %dma_wait3A_49 = tpu.memref_slice %arg6[%run_scoped3A, %dma_wait3A_47, %dma_wait3A_48] : memref<2x40960x256xf32, #tpu.memory_space<hbm>> -> memref<1x40960x256xf32, #tpu.memory_space<hbm>>
        %dma_wait3A_50 = tpu.memref_squeeze %dma_wait3A_49 : memref<1x40960x256xf32, #tpu.memory_space<hbm>> -> memref<40960x256xf32, #tpu.memory_space<hbm>>
        %dma_wait3A_51 = arith.constant 0 : i32
        %dma_wait3A_52 = tpu.memref_slice %dma_wait3A_50[%add3A_16, %dma_wait3A_51] : memref<40960x256xf32, #tpu.memory_space<hbm>> -> memref<128x256xf32, #tpu.memory_space<hbm>>
        %dma_wait3A_53 = arith.constant 0 : i32
        %dma_wait3A_54 = arith.constant 0 : i32
        %dma_wait3A_55 = tpu.memref_slice %arg6[%run_scoped3A, %dma_wait3A_53, %dma_wait3A_54] : memref<2x40960x256xf32, #tpu.memory_space<hbm>> -> memref<1x40960x256xf32, #tpu.memory_space<hbm>>
        %dma_wait3A_56 = tpu.memref_squeeze %dma_wait3A_55 : memref<1x40960x256xf32, #tpu.memory_space<hbm>> -> memref<40960x256xf32, #tpu.memory_space<hbm>>
        %dma_wait3A_57 = arith.constant 0 : i32
        %dma_wait3A_58 = tpu.memref_slice %dma_wait3A_56[%add3A_16, %dma_wait3A_57] : memref<40960x256xf32, #tpu.memory_space<hbm>> -> memref<128x256xf32, #tpu.memory_space<hbm>>
        tpu.wait_dma2 semaphore(%run_scoped3A_34 : memref<!tpu.dma_semaphore, #tpu.memory_space<semaphore_mem>>) src(%arg9 : memref<128x256xf32, #tpu.memory_space<vmem>>) dst(%dma_wait3A_58 : memref<128x256xf32, #tpu.memory_space<hbm>>)
        tpu.yield
      }) : () -> ()
      %dma_wait3A_29 = tpu.memref_slice %arg8[%mul3A_18] : memref<1280xi32, #tpu.memory_space<vmem>> -> memref<128xi32, #tpu.memory_space<vmem>>
      %dma_wait3A_30 = arith.constant 0 : i32
      %dma_wait3A_31 = arith.constant 0 : i32
      %dma_wait3A_32 = tpu.memref_slice %arg3[%dma_wait3A_30, %dma_wait3A_31] : memref<10000x256xf32, #tpu.memory_space<hbm>> -> memref<10000x256xf32, #tpu.memory_space<hbm>>
      tpu.wait_indirect_dma semaphore(%arg12 : memref<!tpu.dma_semaphore, #tpu.memory_space<semaphore_mem>>) src(%dma_wait3A_32 : memref<10000x256xf32, #tpu.memory_space<hbm>>) dst(%arg10 : memref<128x256xf32, #tpu.memory_space<vmem>>)
      %run_scoped3A_33 = arith.constant 1 : i32
      "tpu.region"() ({
        %run_scoped3A_34 = tpu.sem_alloc : memref<!tpu.dma_semaphore, #tpu.memory_space<semaphore_mem>>
        %dma_start3A_35 = arith.constant 0 : i32
        %dma_start3A_36 = arith.constant 0 : i32
        %dma_start3A_37 = tpu.memref_slice %arg6[%run_scoped3A_33, %dma_start3A_35, %dma_start3A_36] : memref<2x40960x256xf32, #tpu.memory_space<hbm>> -> memref<1x40960x256xf32, #tpu.memory_space<hbm>>
        %dma_start3A_38 = tpu.memref_squeeze %dma_start3A_37 : memref<1x40960x256xf32, #tpu.memory_space<hbm>> -> memref<40960x256xf32, #tpu.memory_space<hbm>>
        %dma_start3A_39 = arith.constant 0 : i32
        %dma_start3A_40 = tpu.memref_slice %dma_start3A_38[%add3A_16, %dma_start3A_39] : memref<40960x256xf32, #tpu.memory_space<hbm>> -> memref<128x256xf32, #tpu.memory_space<hbm>>
        %dma_start3A_41 = arith.constant 0 : i32
        %dma_start3A_42 = arith.constant 0 : i32
        %dma_start3A_43 = tpu.memref_slice %arg6[%run_scoped3A_33, %dma_start3A_41, %dma_start3A_42] : memref<2x40960x256xf32, #tpu.memory_space<hbm>> -> memref<1x40960x256xf32, #tpu.memory_space<hbm>>
        %dma_start3A_44 = tpu.memref_squeeze %dma_start3A_43 : memref<1x40960x256xf32, #tpu.memory_space<hbm>> -> memref<40960x256xf32, #tpu.memory_space<hbm>>
        %dma_start3A_45 = arith.constant 0 : i32
        %dma_start3A_46 = tpu.memref_slice %dma_start3A_44[%add3A_16, %dma_start3A_45] : memref<40960x256xf32, #tpu.memory_space<hbm>> -> memref<128x256xf32, #tpu.memory_space<hbm>>
        tpu.enqueue_dma source(%arg10 : memref<128x256xf32, #tpu.memory_space<vmem>>) target(%dma_start3A_46 : memref<128x256xf32, #tpu.memory_space<hbm>>) target_semaphore(%run_scoped3A_34 : memref<!tpu.dma_semaphore, #tpu.memory_space<semaphore_mem>>)
        %dma_wait3A_47 = arith.constant 0 : i32
        %dma_wait3A_48 = arith.constant 0 : i32
        %dma_wait3A_49 = tpu.memref_slice %arg6[%run_scoped3A_33, %dma_wait3A_47, %dma_wait3A_48] : memref<2x40960x256xf32, #tpu.memory_space<hbm>> -> memref<1x40960x256xf32, #tpu.memory_space<hbm>>
        %dma_wait3A_50 = tpu.memref_squeeze %dma_wait3A_49 : memref<1x40960x256xf32, #tpu.memory_space<hbm>> -> memref<40960x256xf32, #tpu.memory_space<hbm>>
        %dma_wait3A_51 = arith.constant 0 : i32
        %dma_wait3A_52 = tpu.memref_slice %dma_wait3A_50[%add3A_16, %dma_wait3A_51] : memref<40960x256xf32, #tpu.memory_space<hbm>> -> memref<128x256xf32, #tpu.memory_space<hbm>>
        %dma_wait3A_53 = arith.constant 0 : i32
        %dma_wait3A_54 = arith.constant 0 : i32
        %dma_wait3A_55 = tpu.memref_slice %arg6[%run_scoped3A_33, %dma_wait3A_53, %dma_wait3A_54] : memref<2x40960x256xf32, #tpu.memory_space<hbm>> -> memref<1x40960x256xf32, #tpu.memory_space<hbm>>
        %dma_wait3A_56 = tpu.memref_squeeze %dma_wait3A_55 : memref<1x40960x256xf32, #tpu.memory_space<hbm>> -> memref<40960x256xf32, #tpu.memory_space<hbm>>
        %dma_wait3A_57 = arith.constant 0 : i32
        %dma_wait3A_58 = tpu.memref_slice %dma_wait3A_56[%add3A_16, %dma_wait3A_57] : memref<40960x256xf32, #tpu.memory_space<hbm>> -> memref<128x256xf32, #tpu.memory_space<hbm>>
        tpu.wait_dma2 semaphore(%run_scoped3A_34 : memref<!tpu.dma_semaphore, #tpu.memory_space<semaphore_mem>>) src(%arg10 : memref<128x256xf32, #tpu.memory_space<vmem>>) dst(%dma_wait3A_58 : memref<128x256xf32, #tpu.memory_space<hbm>>)
        tpu.yield
      }) : () -> ()
    }
    %scan3A_8 = arith.constant 10 : i32
    return
  }
}

#map = affine_map<(d0, d1) -> (0, 0)>
#map1 = affine_map<(d0, d1) -> (0, 0, 0)>
module attributes {stable_mosaic.version = 14 : i64} {
  func.func @_sc_deg(%arg0: i32, %arg1: i32, %arg2: memref<1280x128xi32, #tpu.memory_space<hbm>>, %arg3: memref<128x128xf32, #tpu.memory_space<hbm>>, %arg4: memref<640x128xf32, #tpu.memory_space<hbm>>, %arg5: memref<2x10240x128xf32, #tpu.memory_space<hbm>>, %arg6: memref<40x128xi32, #tpu.memory_space<vmem>>, %arg7: memref<128x128xf32, #tpu.memory_space<vmem>>, %arg8: memref<10240x128xf32, #tpu.memory_space<vmem_shared>>, %arg9: memref<!tpu.dma_semaphore, #tpu.memory_space<semaphore_mem>>) attributes {dimension_semantics = [#tpu.dimension_semantics<core_parallel>, #tpu.dimension_semantics<subcore_parallel>], iteration_bounds = array<i64: 2, 16>, scalar_prefetch = 0 : i64, scratch_operands = 4 : i64, tpu.core_type = #tpu.core_type<sc_vector_subcore>, window_params = [{transform_indices = #map}, {transform_indices = #map}, {transform_indices = #map}, {transform_indices = #map1}]} {
    %mul3A = arith.constant 2 : i32
    %mul3A_0 = arith.muli %arg1, %mul3A : i32
    %add3A = arith.addi %mul3A_0, %arg0 : i32
    "tpu.region"() ({
      %run_scoped3A = tpu.sem_alloc : memref<!tpu.dma_semaphore, #tpu.memory_space<semaphore_mem>>
      tpu.enqueue_dma source(%arg3 : memref<128x128xf32, #tpu.memory_space<hbm>>) target(%arg7 : memref<128x128xf32, #tpu.memory_space<vmem>>) target_semaphore(%run_scoped3A : memref<!tpu.dma_semaphore, #tpu.memory_space<semaphore_mem>>)
      tpu.wait_dma2 semaphore(%run_scoped3A : memref<!tpu.dma_semaphore, #tpu.memory_space<semaphore_mem>>) src(%arg3 : memref<128x128xf32, #tpu.memory_space<hbm>>) dst(%arg7 : memref<128x128xf32, #tpu.memory_space<vmem>>)
      tpu.yield
    }) : () -> ()
    %mul3A_1 = arith.constant 640 : i32
    %mul3A_2 = arith.muli %arg1, %mul3A_1 : i32
    "tpu.region"() ({
      %run_scoped3A = tpu.sem_alloc : memref<!tpu.dma_semaphore, #tpu.memory_space<semaphore_mem>>
      %dma_start3A = arith.constant 0 : i32
      %dma_start3A_10 = tpu.memref_slice %arg8[%mul3A_2, %dma_start3A] : memref<10240x128xf32, #tpu.memory_space<vmem_shared>> -> memref<640x128xf32, #tpu.memory_space<vmem_shared>>
      tpu.enqueue_dma source(%arg4 : memref<640x128xf32, #tpu.memory_space<hbm>>) target(%dma_start3A_10 : memref<640x128xf32, #tpu.memory_space<vmem_shared>>) target_semaphore(%run_scoped3A : memref<!tpu.dma_semaphore, #tpu.memory_space<semaphore_mem>>)
      %dma_wait3A = arith.constant 0 : i32
      %dma_wait3A_11 = tpu.memref_slice %arg8[%mul3A_2, %dma_wait3A] : memref<10240x128xf32, #tpu.memory_space<vmem_shared>> -> memref<640x128xf32, #tpu.memory_space<vmem_shared>>
      tpu.wait_dma2 semaphore(%run_scoped3A : memref<!tpu.dma_semaphore, #tpu.memory_space<semaphore_mem>>) src(%arg4 : memref<640x128xf32, #tpu.memory_space<hbm>>) dst(%dma_wait3A_11 : memref<640x128xf32, #tpu.memory_space<vmem_shared>>)
      tpu.yield
    }) : () -> ()
    %mul3A_3 = arith.constant 40 : i32
    %mul3A_4 = arith.muli %add3A, %mul3A_3 : i32
    "tpu.region"() ({
      %run_scoped3A = tpu.sem_alloc : memref<!tpu.dma_semaphore, #tpu.memory_space<semaphore_mem>>
      %dma_start3A = arith.constant 0 : i32
      %dma_start3A_10 = tpu.memref_slice %arg2[%mul3A_4, %dma_start3A] : memref<1280x128xi32, #tpu.memory_space<hbm>> -> memref<40x128xi32, #tpu.memory_space<hbm>>
      %dma_start3A_11 = arith.constant 0 : i32
      %dma_start3A_12 = tpu.memref_slice %arg2[%mul3A_4, %dma_start3A_11] : memref<1280x128xi32, #tpu.memory_space<hbm>> -> memref<40x128xi32, #tpu.memory_space<hbm>>
      tpu.enqueue_dma source(%dma_start3A_12 : memref<40x128xi32, #tpu.memory_space<hbm>>) target(%arg6 : memref<40x128xi32, #tpu.memory_space<vmem>>) target_semaphore(%run_scoped3A : memref<!tpu.dma_semaphore, #tpu.memory_space<semaphore_mem>>)
      %dma_wait3A = arith.constant 0 : i32
      %dma_wait3A_13 = tpu.memref_slice %arg2[%mul3A_4, %dma_wait3A] : memref<1280x128xi32, #tpu.memory_space<hbm>> -> memref<40x128xi32, #tpu.memory_space<hbm>>
      %dma_wait3A_14 = arith.constant 0 : i32
      %dma_wait3A_15 = tpu.memref_slice %arg2[%mul3A_4, %dma_wait3A_14] : memref<1280x128xi32, #tpu.memory_space<hbm>> -> memref<40x128xi32, #tpu.memory_space<hbm>>
      tpu.wait_dma2 semaphore(%run_scoped3A : memref<!tpu.dma_semaphore, #tpu.memory_space<semaphore_mem>>) src(%dma_wait3A_15 : memref<40x128xi32, #tpu.memory_space<hbm>>) dst(%arg6 : memref<40x128xi32, #tpu.memory_space<vmem>>)
      tpu.yield
    }) : () -> ()
    %barrier3A = arith.constant 0 : index
    tpu.barrier barrier_id(%barrier3A)
    %scan3A = arith.constant 0 : i32
    %scan3A_5 = arith.constant 40 : i32
    %scan3A_6 = arith.addi %scan3A, %scan3A_5 : i32
    %scan3A_7 = arith.constant 1 : i32
    scf.for %scan3A_10 = %scan3A to %scan3A_6 step %scan3A_7  : i32 {
      %mul3A_11 = arith.constant 1 : i32
      %mul3A_12 = arith.muli %scan3A_10, %mul3A_11 : i32
      %add3A_13 = arith.constant 0 : i32
      %add3A_14 = arith.addi %add3A_13, %mul3A_12 : i32
      "tpu.region"() ({
        %run_scoped3A = tpu.sem_alloc : memref<!tpu.dma_semaphore, #tpu.memory_space<semaphore_mem>>
        %dma_start3A = arith.constant 0 : i32
        %dma_start3A_15 = tpu.memref_slice %arg6[%add3A_14, %dma_start3A] : memref<40x128xi32, #tpu.memory_space<vmem>> -> memref<1x128xi32, #tpu.memory_space<vmem>>
        %dma_start3A_16 = tpu.memref_squeeze %dma_start3A_15 : memref<1x128xi32, #tpu.memory_space<vmem>> -> memref<128xi32, #tpu.memory_space<vmem>>
        %dma_start3A_17 = arith.constant 0 : i32
        %dma_start3A_18 = arith.constant 0 : i32
        %dma_start3A_19 = tpu.memref_slice %arg8[%dma_start3A_17, %dma_start3A_18] : memref<10240x128xf32, #tpu.memory_space<vmem_shared>> -> memref<10240x128xf32, #tpu.memory_space<vmem_shared>>
        tpu.enqueue_indirect_dma source(%arg7 : memref<128x128xf32, #tpu.memory_space<vmem>>) target(%dma_start3A_19 : memref<10240x128xf32, #tpu.memory_space<vmem_shared>>) offsets(%dma_start3A_16 : memref<128xi32, #tpu.memory_space<vmem>>) semaphore(%run_scoped3A : memref<!tpu.dma_semaphore, #tpu.memory_space<semaphore_mem>>) {add = true}
        %dma_wait3A = arith.constant 0 : i32
        %dma_wait3A_20 = tpu.memref_slice %arg6[%add3A_14, %dma_wait3A] : memref<40x128xi32, #tpu.memory_space<vmem>> -> memref<1x128xi32, #tpu.memory_space<vmem>>
        %dma_wait3A_21 = tpu.memref_squeeze %dma_wait3A_20 : memref<1x128xi32, #tpu.memory_space<vmem>> -> memref<128xi32, #tpu.memory_space<vmem>>
        %dma_wait3A_22 = arith.constant 0 : i32
        %dma_wait3A_23 = arith.constant 0 : i32
        %dma_wait3A_24 = tpu.memref_slice %arg8[%dma_wait3A_22, %dma_wait3A_23] : memref<10240x128xf32, #tpu.memory_space<vmem_shared>> -> memref<10240x128xf32, #tpu.memory_space<vmem_shared>>
        tpu.wait_indirect_dma semaphore(%run_scoped3A : memref<!tpu.dma_semaphore, #tpu.memory_space<semaphore_mem>>) src(%arg7 : memref<128x128xf32, #tpu.memory_space<vmem>>) dst(%dma_wait3A_24 : memref<10240x128xf32, #tpu.memory_space<vmem_shared>>)
        tpu.yield
      }) : () -> ()
    }
    %scan3A_8 = arith.constant 40 : i32
    %barrier3A_9 = arith.constant 0 : index
    tpu.barrier barrier_id(%barrier3A_9)
    "tpu.region"() ({
      %run_scoped3A = tpu.sem_alloc : memref<!tpu.dma_semaphore, #tpu.memory_space<semaphore_mem>>
      %dma_start3A = arith.constant 0 : i32
      %dma_start3A_10 = arith.constant 0 : i32
      %dma_start3A_11 = tpu.memref_slice %arg5[%arg0, %dma_start3A, %dma_start3A_10] : memref<2x10240x128xf32, #tpu.memory_space<hbm>> -> memref<1x10240x128xf32, #tpu.memory_space<hbm>>
      %dma_start3A_12 = tpu.memref_squeeze %dma_start3A_11 : memref<1x10240x128xf32, #tpu.memory_space<hbm>> -> memref<10240x128xf32, #tpu.memory_space<hbm>>
      %dma_start3A_13 = arith.constant 0 : i32
      %dma_start3A_14 = tpu.memref_slice %dma_start3A_12[%mul3A_2, %dma_start3A_13] : memref<10240x128xf32, #tpu.memory_space<hbm>> -> memref<640x128xf32, #tpu.memory_space<hbm>>
      %dma_start3A_15 = arith.constant 0 : i32
      %dma_start3A_16 = tpu.memref_slice %arg8[%mul3A_2, %dma_start3A_15] : memref<10240x128xf32, #tpu.memory_space<vmem_shared>> -> memref<640x128xf32, #tpu.memory_space<vmem_shared>>
      tpu.enqueue_dma source(%dma_start3A_16 : memref<640x128xf32, #tpu.memory_space<vmem_shared>>) target(%dma_start3A_14 : memref<640x128xf32, #tpu.memory_space<hbm>>) target_semaphore(%run_scoped3A : memref<!tpu.dma_semaphore, #tpu.memory_space<semaphore_mem>>)
      %dma_wait3A = arith.constant 0 : i32
      %dma_wait3A_17 = arith.constant 0 : i32
      %dma_wait3A_18 = tpu.memref_slice %arg5[%arg0, %dma_wait3A, %dma_wait3A_17] : memref<2x10240x128xf32, #tpu.memory_space<hbm>> -> memref<1x10240x128xf32, #tpu.memory_space<hbm>>
      %dma_wait3A_19 = tpu.memref_squeeze %dma_wait3A_18 : memref<1x10240x128xf32, #tpu.memory_space<hbm>> -> memref<10240x128xf32, #tpu.memory_space<hbm>>
      %dma_wait3A_20 = arith.constant 0 : i32
      %dma_wait3A_21 = tpu.memref_slice %dma_wait3A_19[%mul3A_2, %dma_wait3A_20] : memref<10240x128xf32, #tpu.memory_space<hbm>> -> memref<640x128xf32, #tpu.memory_space<hbm>>
      %dma_wait3A_22 = arith.constant 0 : i32
      %dma_wait3A_23 = tpu.memref_slice %arg8[%mul3A_2, %dma_wait3A_22] : memref<10240x128xf32, #tpu.memory_space<vmem_shared>> -> memref<640x128xf32, #tpu.memory_space<vmem_shared>>
      tpu.wait_dma2 semaphore(%run_scoped3A : memref<!tpu.dma_semaphore, #tpu.memory_space<semaphore_mem>>) src(%dma_wait3A_23 : memref<640x128xf32, #tpu.memory_space<vmem_shared>>) dst(%dma_wait3A_21 : memref<640x128xf32, #tpu.memory_space<hbm>>)
      tpu.yield
    }) : () -> ()
    return
  }
}

#map = affine_map<(d0, d1) -> (0)>
#map1 = affine_map<(d0, d1) -> (0, 0)>
#map2 = affine_map<(d0, d1) -> (0, 0, 0)>
module attributes {stable_mosaic.version = 14 : i64} {
  func.func @_sc_gcn_agg(%arg0: i32, %arg1: i32, %arg2: memref<163840xi32, #tpu.memory_space<hbm>>, %arg3: memref<1280x128xi32, #tpu.memory_space<hbm>>, %arg4: memref<2x10240x128xf32, #tpu.memory_space<hbm>>, %arg5: memref<640x128xf32, #tpu.memory_space<hbm>>, %arg6: memref<2x10240x128xf32, #tpu.memory_space<hbm>>, %arg7: memref<10240xi32, #tpu.memory_space<vmem>>, %arg8: memref<80x128xi32, #tpu.memory_space<vmem>>, %arg9: memref<128x128xf32, #tpu.memory_space<vmem>>, %arg10: memref<10240x128xf32, #tpu.memory_space<vmem_shared>>, %arg11: memref<!tpu.dma_semaphore, #tpu.memory_space<semaphore_mem>>) attributes {dimension_semantics = [#tpu.dimension_semantics<core_parallel>, #tpu.dimension_semantics<subcore_parallel>], iteration_bounds = array<i64: 2, 16>, scalar_prefetch = 0 : i64, scratch_operands = 5 : i64, tpu.core_type = #tpu.core_type<sc_vector_subcore>, window_params = [{transform_indices = #map}, {transform_indices = #map1}, {transform_indices = #map2}, {transform_indices = #map1}, {transform_indices = #map2}]} {
    %mul3A = arith.constant 640 : i32
    %mul3A_0 = arith.muli %arg1, %mul3A : i32
    "tpu.region"() ({
      %run_scoped3A = tpu.sem_alloc : memref<!tpu.dma_semaphore, #tpu.memory_space<semaphore_mem>>
      %dma_start3A = arith.constant 0 : i32
      %dma_start3A_12 = tpu.memref_slice %arg10[%mul3A_0, %dma_start3A] : memref<10240x128xf32, #tpu.memory_space<vmem_shared>> -> memref<640x128xf32, #tpu.memory_space<vmem_shared>>
      tpu.enqueue_dma source(%arg5 : memref<640x128xf32, #tpu.memory_space<hbm>>) target(%dma_start3A_12 : memref<640x128xf32, #tpu.memory_space<vmem_shared>>) target_semaphore(%run_scoped3A : memref<!tpu.dma_semaphore, #tpu.memory_space<semaphore_mem>>)
      %dma_wait3A = arith.constant 0 : i32
      %dma_wait3A_13 = tpu.memref_slice %arg10[%mul3A_0, %dma_wait3A] : memref<10240x128xf32, #tpu.memory_space<vmem_shared>> -> memref<640x128xf32, #tpu.memory_space<vmem_shared>>
      tpu.wait_dma2 semaphore(%run_scoped3A : memref<!tpu.dma_semaphore, #tpu.memory_space<semaphore_mem>>) src(%arg5 : memref<640x128xf32, #tpu.memory_space<hbm>>) dst(%dma_wait3A_13 : memref<640x128xf32, #tpu.memory_space<vmem_shared>>)
      tpu.yield
    }) : () -> ()
    %mul3A_1 = arith.constant 80 : i32
    %mul3A_2 = arith.muli %arg1, %mul3A_1 : i32
    %mul3A_3 = arith.constant 128 : i32
    %mul3A_4 = arith.muli %mul3A_2, %mul3A_3 : i32
    "tpu.region"() ({
      %run_scoped3A = tpu.sem_alloc : memref<!tpu.dma_semaphore, #tpu.memory_space<semaphore_mem>>
      %dma_start3A = tpu.memref_slice %arg2[%mul3A_4] : memref<163840xi32, #tpu.memory_space<hbm>> -> memref<10240xi32, #tpu.memory_space<hbm>>
      %dma_start3A_12 = tpu.memref_slice %arg2[%mul3A_4] : memref<163840xi32, #tpu.memory_space<hbm>> -> memref<10240xi32, #tpu.memory_space<hbm>>
      tpu.enqueue_dma source(%dma_start3A_12 : memref<10240xi32, #tpu.memory_space<hbm>>) target(%arg7 : memref<10240xi32, #tpu.memory_space<vmem>>) target_semaphore(%run_scoped3A : memref<!tpu.dma_semaphore, #tpu.memory_space<semaphore_mem>>)
      %dma_wait3A = tpu.memref_slice %arg2[%mul3A_4] : memref<163840xi32, #tpu.memory_space<hbm>> -> memref<10240xi32, #tpu.memory_space<hbm>>
      %dma_wait3A_13 = tpu.memref_slice %arg2[%mul3A_4] : memref<163840xi32, #tpu.memory_space<hbm>> -> memref<10240xi32, #tpu.memory_space<hbm>>
      tpu.wait_dma2 semaphore(%run_scoped3A : memref<!tpu.dma_semaphore, #tpu.memory_space<semaphore_mem>>) src(%dma_wait3A_13 : memref<10240xi32, #tpu.memory_space<hbm>>) dst(%arg7 : memref<10240xi32, #tpu.memory_space<vmem>>)
      tpu.yield
    }) : () -> ()
    %mul3A_5 = arith.constant 80 : i32
    %mul3A_6 = arith.muli %arg1, %mul3A_5 : i32
    "tpu.region"() ({
      %run_scoped3A = tpu.sem_alloc : memref<!tpu.dma_semaphore, #tpu.memory_space<semaphore_mem>>
      %dma_start3A = arith.constant 0 : i32
      %dma_start3A_12 = tpu.memref_slice %arg3[%mul3A_6, %dma_start3A] : memref<1280x128xi32, #tpu.memory_space<hbm>> -> memref<80x128xi32, #tpu.memory_space<hbm>>
      %dma_start3A_13 = arith.constant 0 : i32
      %dma_start3A_14 = tpu.memref_slice %arg3[%mul3A_6, %dma_start3A_13] : memref<1280x128xi32, #tpu.memory_space<hbm>> -> memref<80x128xi32, #tpu.memory_space<hbm>>
      tpu.enqueue_dma source(%dma_start3A_14 : memref<80x128xi32, #tpu.memory_space<hbm>>) target(%arg8 : memref<80x128xi32, #tpu.memory_space<vmem>>) target_semaphore(%run_scoped3A : memref<!tpu.dma_semaphore, #tpu.memory_space<semaphore_mem>>)
      %dma_wait3A = arith.constant 0 : i32
      %dma_wait3A_15 = tpu.memref_slice %arg3[%mul3A_6, %dma_wait3A] : memref<1280x128xi32, #tpu.memory_space<hbm>> -> memref<80x128xi32, #tpu.memory_space<hbm>>
      %dma_wait3A_16 = arith.constant 0 : i32
      %dma_wait3A_17 = tpu.memref_slice %arg3[%mul3A_6, %dma_wait3A_16] : memref<1280x128xi32, #tpu.memory_space<hbm>> -> memref<80x128xi32, #tpu.memory_space<hbm>>
      tpu.wait_dma2 semaphore(%run_scoped3A : memref<!tpu.dma_semaphore, #tpu.memory_space<semaphore_mem>>) src(%dma_wait3A_17 : memref<80x128xi32, #tpu.memory_space<hbm>>) dst(%arg8 : memref<80x128xi32, #tpu.memory_space<vmem>>)
      tpu.yield
    }) : () -> ()
    %barrier3A = arith.constant 0 : index
    tpu.barrier barrier_id(%barrier3A)
    %scan3A = arith.constant 0 : i32
    %scan3A_7 = arith.constant 80 : i32
    %scan3A_8 = arith.addi %scan3A, %scan3A_7 : i32
    %scan3A_9 = arith.constant 1 : i32
    scf.for %scan3A_12 = %scan3A to %scan3A_8 step %scan3A_9  : i32 {
      %mul3A_13 = arith.constant 1 : i32
      %mul3A_14 = arith.muli %scan3A_12, %mul3A_13 : i32
      %add3A = arith.constant 0 : i32
      %add3A_15 = arith.addi %add3A, %mul3A_14 : i32
      %mul3A_16 = arith.constant 128 : i32
      %mul3A_17 = arith.muli %add3A_15, %mul3A_16 : i32
      %dma_start3A = tpu.memref_slice %arg7[%mul3A_17] : memref<10240xi32, #tpu.memory_space<vmem>> -> memref<128xi32, #tpu.memory_space<vmem>>
      %dma_start3A_18 = arith.constant 0 : i32
      %dma_start3A_19 = arith.constant 0 : i32
      %dma_start3A_20 = tpu.memref_slice %arg4[%arg0, %dma_start3A_18, %dma_start3A_19] : memref<2x10240x128xf32, #tpu.memory_space<hbm>> -> memref<1x10240x128xf32, #tpu.memory_space<hbm>>
      %dma_start3A_21 = tpu.memref_squeeze %dma_start3A_20 : memref<1x10240x128xf32, #tpu.memory_space<hbm>> -> memref<10240x128xf32, #tpu.memory_space<hbm>>
      %dma_start3A_22 = arith.constant 0 : i32
      %dma_start3A_23 = arith.constant 0 : i32
      %dma_start3A_24 = tpu.memref_slice %dma_start3A_21[%dma_start3A_22, %dma_start3A_23] : memref<10240x128xf32, #tpu.memory_space<hbm>> -> memref<10240x128xf32, #tpu.memory_space<hbm>>
      tpu.enqueue_indirect_dma source(%dma_start3A_24 : memref<10240x128xf32, #tpu.memory_space<hbm>>) target(%arg9 : memref<128x128xf32, #tpu.memory_space<vmem>>) offsets(%dma_start3A : memref<128xi32, #tpu.memory_space<vmem>>) semaphore(%arg11 : memref<!tpu.dma_semaphore, #tpu.memory_space<semaphore_mem>>)
      %dma_wait3A = tpu.memref_slice %arg7[%mul3A_17] : memref<10240xi32, #tpu.memory_space<vmem>> -> memref<128xi32, #tpu.memory_space<vmem>>
      %dma_wait3A_25 = arith.constant 0 : i32
      %dma_wait3A_26 = arith.constant 0 : i32
      %dma_wait3A_27 = tpu.memref_slice %arg4[%arg0, %dma_wait3A_25, %dma_wait3A_26] : memref<2x10240x128xf32, #tpu.memory_space<hbm>> -> memref<1x10240x128xf32, #tpu.memory_space<hbm>>
      %dma_wait3A_28 = tpu.memref_squeeze %dma_wait3A_27 : memref<1x10240x128xf32, #tpu.memory_space<hbm>> -> memref<10240x128xf32, #tpu.memory_space<hbm>>
      %dma_wait3A_29 = arith.constant 0 : i32
      %dma_wait3A_30 = arith.constant 0 : i32
      %dma_wait3A_31 = tpu.memref_slice %dma_wait3A_28[%dma_wait3A_29, %dma_wait3A_30] : memref<10240x128xf32, #tpu.memory_space<hbm>> -> memref<10240x128xf32, #tpu.memory_space<hbm>>
      tpu.wait_indirect_dma semaphore(%arg11 : memref<!tpu.dma_semaphore, #tpu.memory_space<semaphore_mem>>) src(%dma_wait3A_31 : memref<10240x128xf32, #tpu.memory_space<hbm>>) dst(%arg9 : memref<128x128xf32, #tpu.memory_space<vmem>>)
      "tpu.region"() ({
        %run_scoped3A = tpu.sem_alloc : memref<!tpu.dma_semaphore, #tpu.memory_space<semaphore_mem>>
        %dma_start3A_32 = arith.constant 0 : i32
        %dma_start3A_33 = tpu.memref_slice %arg8[%add3A_15, %dma_start3A_32] : memref<80x128xi32, #tpu.memory_space<vmem>> -> memref<1x128xi32, #tpu.memory_space<vmem>>
        %dma_start3A_34 = tpu.memref_squeeze %dma_start3A_33 : memref<1x128xi32, #tpu.memory_space<vmem>> -> memref<128xi32, #tpu.memory_space<vmem>>
        %dma_start3A_35 = arith.constant 0 : i32
        %dma_start3A_36 = arith.constant 0 : i32
        %dma_start3A_37 = tpu.memref_slice %arg10[%dma_start3A_35, %dma_start3A_36] : memref<10240x128xf32, #tpu.memory_space<vmem_shared>> -> memref<10240x128xf32, #tpu.memory_space<vmem_shared>>
        tpu.enqueue_indirect_dma source(%arg9 : memref<128x128xf32, #tpu.memory_space<vmem>>) target(%dma_start3A_37 : memref<10240x128xf32, #tpu.memory_space<vmem_shared>>) offsets(%dma_start3A_34 : memref<128xi32, #tpu.memory_space<vmem>>) semaphore(%run_scoped3A : memref<!tpu.dma_semaphore, #tpu.memory_space<semaphore_mem>>) {add = true}
        %dma_wait3A_38 = arith.constant 0 : i32
        %dma_wait3A_39 = tpu.memref_slice %arg8[%add3A_15, %dma_wait3A_38] : memref<80x128xi32, #tpu.memory_space<vmem>> -> memref<1x128xi32, #tpu.memory_space<vmem>>
        %dma_wait3A_40 = tpu.memref_squeeze %dma_wait3A_39 : memref<1x128xi32, #tpu.memory_space<vmem>> -> memref<128xi32, #tpu.memory_space<vmem>>
        %dma_wait3A_41 = arith.constant 0 : i32
        %dma_wait3A_42 = arith.constant 0 : i32
        %dma_wait3A_43 = tpu.memref_slice %arg10[%dma_wait3A_41, %dma_wait3A_42] : memref<10240x128xf32, #tpu.memory_space<vmem_shared>> -> memref<10240x128xf32, #tpu.memory_space<vmem_shared>>
        tpu.wait_indirect_dma semaphore(%run_scoped3A : memref<!tpu.dma_semaphore, #tpu.memory_space<semaphore_mem>>) src(%arg9 : memref<128x128xf32, #tpu.memory_space<vmem>>) dst(%dma_wait3A_43 : memref<10240x128xf32, #tpu.memory_space<vmem_shared>>)
        tpu.yield
      }) : () -> ()
    }
    %scan3A_10 = arith.constant 80 : i32
    %barrier3A_11 = arith.constant 0 : index
    tpu.barrier barrier_id(%barrier3A_11)
    "tpu.region"() ({
      %run_scoped3A = tpu.sem_alloc : memref<!tpu.dma_semaphore, #tpu.memory_space<semaphore_mem>>
      %dma_start3A = arith.constant 0 : i32
      %dma_start3A_12 = arith.constant 0 : i32
      %dma_start3A_13 = tpu.memref_slice %arg6[%arg0, %dma_start3A, %dma_start3A_12] : memref<2x10240x128xf32, #tpu.memory_space<hbm>> -> memref<1x10240x128xf32, #tpu.memory_space<hbm>>
      %dma_start3A_14 = tpu.memref_squeeze %dma_start3A_13 : memref<1x10240x128xf32, #tpu.memory_space<hbm>> -> memref<10240x128xf32, #tpu.memory_space<hbm>>
      %dma_start3A_15 = arith.constant 0 : i32
      %dma_start3A_16 = tpu.memref_slice %dma_start3A_14[%mul3A_0, %dma_start3A_15] : memref<10240x128xf32, #tpu.memory_space<hbm>> -> memref<640x128xf32, #tpu.memory_space<hbm>>
      %dma_start3A_17 = arith.constant 0 : i32
      %dma_start3A_18 = tpu.memref_slice %arg10[%mul3A_0, %dma_start3A_17] : memref<10240x128xf32, #tpu.memory_space<vmem_shared>> -> memref<640x128xf32, #tpu.memory_space<vmem_shared>>
      tpu.enqueue_dma source(%dma_start3A_18 : memref<640x128xf32, #tpu.memory_space<vmem_shared>>) target(%dma_start3A_16 : memref<640x128xf32, #tpu.memory_space<hbm>>) target_semaphore(%run_scoped3A : memref<!tpu.dma_semaphore, #tpu.memory_space<semaphore_mem>>)
      %dma_wait3A = arith.constant 0 : i32
      %dma_wait3A_19 = arith.constant 0 : i32
      %dma_wait3A_20 = tpu.memref_slice %arg6[%arg0, %dma_wait3A, %dma_wait3A_19] : memref<2x10240x128xf32, #tpu.memory_space<hbm>> -> memref<1x10240x128xf32, #tpu.memory_space<hbm>>
      %dma_wait3A_21 = tpu.memref_squeeze %dma_wait3A_20 : memref<1x10240x128xf32, #tpu.memory_space<hbm>> -> memref<10240x128xf32, #tpu.memory_space<hbm>>
      %dma_wait3A_22 = arith.constant 0 : i32
      %dma_wait3A_23 = tpu.memref_slice %dma_wait3A_21[%mul3A_0, %dma_wait3A_22] : memref<10240x128xf32, #tpu.memory_space<hbm>> -> memref<640x128xf32, #tpu.memory_space<hbm>>
      %dma_wait3A_24 = arith.constant 0 : i32
      %dma_wait3A_25 = tpu.memref_slice %arg10[%mul3A_0, %dma_wait3A_24] : memref<10240x128xf32, #tpu.memory_space<vmem_shared>> -> memref<640x128xf32, #tpu.memory_space<vmem_shared>>
      tpu.wait_dma2 semaphore(%run_scoped3A : memref<!tpu.dma_semaphore, #tpu.memory_space<semaphore_mem>>) src(%dma_wait3A_25 : memref<640x128xf32, #tpu.memory_space<vmem_shared>>) dst(%dma_wait3A_23 : memref<640x128xf32, #tpu.memory_space<hbm>>)
      tpu.yield
    }) : () -> ()
    return
  }
}

#map = affine_map<(d0, d1) -> (0, 0)>
#map1 = affine_map<(d0, d1) -> (0)>
#map2 = affine_map<(d0, d1) -> (0, 0, 0)>
module attributes {stable_mosaic.version = 14 : i64} {
  func.func @_sc_pair_gather(%arg0: i32, %arg1: i32, %arg2: memref<10000x256xf32, #tpu.memory_space<hbm>>, %arg3: memref<10000x256xf32, #tpu.memory_space<hbm>>, %arg4: memref<40960xi32, #tpu.memory_space<hbm>>, %arg5: memref<40960xi32, #tpu.memory_space<hbm>>, %arg6: memref<2x40960x256xf32, #tpu.memory_space<hbm>>, %arg7: memref<1280xi32, #tpu.memory_space<vmem>>, %arg8: memref<1280xi32, #tpu.memory_space<vmem>>, %arg9: memref<128x256xf32, #tpu.memory_space<vmem>>, %arg10: memref<128x256xf32, #tpu.memory_space<vmem>>, %arg11: memref<!tpu.dma_semaphore, #tpu.memory_space<semaphore_mem>>, %arg12: memref<!tpu.dma_semaphore, #tpu.memory_space<semaphore_mem>>) attributes {dimension_semantics = [#tpu.dimension_semantics<core_parallel>, #tpu.dimension_semantics<subcore_parallel>], iteration_bounds = array<i64: 2, 16>, scalar_prefetch = 0 : i64, scratch_operands = 6 : i64, tpu.core_type = #tpu.core_type<sc_vector_subcore>, window_params = [{transform_indices = #map}, {transform_indices = #map}, {transform_indices = #map1}, {transform_indices = #map1}, {transform_indices = #map2}]} {
    %mul3A = arith.constant 2 : i32
    %mul3A_0 = arith.muli %arg1, %mul3A : i32
    %add3A = arith.addi %mul3A_0, %arg0 : i32
    %mul3A_1 = arith.constant 10 : i32
    %mul3A_2 = arith.muli %add3A, %mul3A_1 : i32
    %mul3A_3 = arith.constant 128 : i32
    %mul3A_4 = arith.muli %mul3A_2, %mul3A_3 : i32
    "tpu.region"() ({
      %run_scoped3A = tpu.sem_alloc : memref<!tpu.dma_semaphore, #tpu.memory_space<semaphore_mem>>
      %dma_start3A = tpu.memref_slice %arg4[%mul3A_4] : memref<40960xi32, #tpu.memory_space<hbm>> -> memref<1280xi32, #tpu.memory_space<hbm>>
      %dma_start3A_9 = tpu.memref_slice %arg4[%mul3A_4] : memref<40960xi32, #tpu.memory_space<hbm>> -> memref<1280xi32, #tpu.memory_space<hbm>>
      tpu.enqueue_dma source(%dma_start3A_9 : memref<1280xi32, #tpu.memory_space<hbm>>) target(%arg7 : memref<1280xi32, #tpu.memory_space<vmem>>) target_semaphore(%run_scoped3A : memref<!tpu.dma_semaphore, #tpu.memory_space<semaphore_mem>>)
      %dma_wait3A = tpu.memref_slice %arg4[%mul3A_4] : memref<40960xi32, #tpu.memory_space<hbm>> -> memref<1280xi32, #tpu.memory_space<hbm>>
      %dma_wait3A_10 = tpu.memref_slice %arg4[%mul3A_4] : memref<40960xi32, #tpu.memory_space<hbm>> -> memref<1280xi32, #tpu.memory_space<hbm>>
      tpu.wait_dma2 semaphore(%run_scoped3A : memref<!tpu.dma_semaphore, #tpu.memory_space<semaphore_mem>>) src(%dma_wait3A_10 : memref<1280xi32, #tpu.memory_space<hbm>>) dst(%arg7 : memref<1280xi32, #tpu.memory_space<vmem>>)
      tpu.yield
    }) : () -> ()
    "tpu.region"() ({
      %run_scoped3A = tpu.sem_alloc : memref<!tpu.dma_semaphore, #tpu.memory_space<semaphore_mem>>
      %dma_start3A = tpu.memref_slice %arg5[%mul3A_4] : memref<40960xi32, #tpu.memory_space<hbm>> -> memref<1280xi32, #tpu.memory_space<hbm>>
      %dma_start3A_9 = tpu.memref_slice %arg5[%mul3A_4] : memref<40960xi32, #tpu.memory_space<hbm>> -> memref<1280xi32, #tpu.memory_space<hbm>>
      tpu.enqueue_dma source(%dma_start3A_9 : memref<1280xi32, #tpu.memory_space<hbm>>) target(%arg8 : memref<1280xi32, #tpu.memory_space<vmem>>) target_semaphore(%run_scoped3A : memref<!tpu.dma_semaphore, #tpu.memory_space<semaphore_mem>>)
      %dma_wait3A = tpu.memref_slice %arg5[%mul3A_4] : memref<40960xi32, #tpu.memory_space<hbm>> -> memref<1280xi32, #tpu.memory_space<hbm>>
      %dma_wait3A_10 = tpu.memref_slice %arg5[%mul3A_4] : memref<40960xi32, #tpu.memory_space<hbm>> -> memref<1280xi32, #tpu.memory_space<hbm>>
      tpu.wait_dma2 semaphore(%run_scoped3A : memref<!tpu.dma_semaphore, #tpu.memory_space<semaphore_mem>>) src(%dma_wait3A_10 : memref<1280xi32, #tpu.memory_space<hbm>>) dst(%arg8 : memref<1280xi32, #tpu.memory_space<vmem>>)
      tpu.yield
    }) : () -> ()
    %scan3A = arith.constant 0 : i32
    %scan3A_5 = arith.constant 10 : i32
    %scan3A_6 = arith.addi %scan3A, %scan3A_5 : i32
    %scan3A_7 = arith.constant 1 : i32
    scf.for %scan3A_9 = %scan3A to %scan3A_6 step %scan3A_7  : i32 {
      %mul3A_10 = arith.constant 1 : i32
      %mul3A_11 = arith.muli %scan3A_9, %mul3A_10 : i32
      %add3A_12 = arith.constant 0 : i32
      %add3A_13 = arith.addi %add3A_12, %mul3A_11 : i32
      %mul3A_14 = arith.constant 128 : i32
      %mul3A_15 = arith.muli %add3A_13, %mul3A_14 : i32
      %add3A_16 = arith.addi %mul3A_4, %mul3A_15 : i32
      %mul3A_17 = arith.constant 128 : i32
      %mul3A_18 = arith.muli %add3A_13, %mul3A_17 : i32
      %dma_start3A = tpu.memref_slice %arg7[%mul3A_18] : memref<1280xi32, #tpu.memory_space<vmem>> -> memref<128xi32, #tpu.memory_space<vmem>>
      %dma_start3A_19 = arith.constant 0 : i32
      %dma_start3A_20 = arith.constant 0 : i32
      %dma_start3A_21 = tpu.memref_slice %arg2[%dma_start3A_19, %dma_start3A_20] : memref<10000x256xf32, #tpu.memory_space<hbm>> -> memref<10000x256xf32, #tpu.memory_space<hbm>>
      tpu.enqueue_indirect_dma source(%dma_start3A_21 : memref<10000x256xf32, #tpu.memory_space<hbm>>) target(%arg9 : memref<128x256xf32, #tpu.memory_space<vmem>>) offsets(%dma_start3A : memref<128xi32, #tpu.memory_space<vmem>>) semaphore(%arg11 : memref<!tpu.dma_semaphore, #tpu.memory_space<semaphore_mem>>)
      %dma_start3A_22 = tpu.memref_slice %arg8[%mul3A_18] : memref<1280xi32, #tpu.memory_space<vmem>> -> memref<128xi32, #tpu.memory_space<vmem>>
      %dma_start3A_23 = arith.constant 0 : i32
      %dma_start3A_24 = arith.constant 0 : i32
      %dma_start3A_25 = tpu.memref_slice %arg3[%dma_start3A_23, %dma_start3A_24] : memref<10000x256xf32, #tpu.memory_space<hbm>> -> memref<10000x256xf32, #tpu.memory_space<hbm>>
      tpu.enqueue_indirect_dma source(%dma_start3A_25 : memref<10000x256xf32, #tpu.memory_space<hbm>>) target(%arg10 : memref<128x256xf32, #tpu.memory_space<vmem>>) offsets(%dma_start3A_22 : memref<128xi32, #tpu.memory_space<vmem>>) semaphore(%arg12 : memref<!tpu.dma_semaphore, #tpu.memory_space<semaphore_mem>>)
      %dma_wait3A = tpu.memref_slice %arg7[%mul3A_18] : memref<1280xi32, #tpu.memory_space<vmem>> -> memref<128xi32, #tpu.memory_space<vmem>>
      %dma_wait3A_26 = arith.constant 0 : i32
      %dma_wait3A_27 = arith.constant 0 : i32
      %dma_wait3A_28 = tpu.memref_slice %arg2[%dma_wait3A_26, %dma_wait3A_27] : memref<10000x256xf32, #tpu.memory_space<hbm>> -> memref<10000x256xf32, #tpu.memory_space<hbm>>
      tpu.wait_indirect_dma semaphore(%arg11 : memref<!tpu.dma_semaphore, #tpu.memory_space<semaphore_mem>>) src(%dma_wait3A_28 : memref<10000x256xf32, #tpu.memory_space<hbm>>) dst(%arg9 : memref<128x256xf32, #tpu.memory_space<vmem>>)
      %run_scoped3A = arith.constant 0 : i32
      "tpu.region"() ({
        %run_scoped3A_34 = tpu.sem_alloc : memref<!tpu.dma_semaphore, #tpu.memory_space<semaphore_mem>>
        %dma_start3A_35 = arith.constant 0 : i32
        %dma_start3A_36 = arith.constant 0 : i32
        %dma_start3A_37 = tpu.memref_slice %arg6[%run_scoped3A, %dma_start3A_35, %dma_start3A_36] : memref<2x40960x256xf32, #tpu.memory_space<hbm>> -> memref<1x40960x256xf32, #tpu.memory_space<hbm>>
        %dma_start3A_38 = tpu.memref_squeeze %dma_start3A_37 : memref<1x40960x256xf32, #tpu.memory_space<hbm>> -> memref<40960x256xf32, #tpu.memory_space<hbm>>
        %dma_start3A_39 = arith.constant 0 : i32
        %dma_start3A_40 = tpu.memref_slice %dma_start3A_38[%add3A_16, %dma_start3A_39] : memref<40960x256xf32, #tpu.memory_space<hbm>> -> memref<128x256xf32, #tpu.memory_space<hbm>>
        %dma_start3A_41 = arith.constant 0 : i32
        %dma_start3A_42 = arith.constant 0 : i32
        %dma_start3A_43 = tpu.memref_slice %arg6[%run_scoped3A, %dma_start3A_41, %dma_start3A_42] : memref<2x40960x256xf32, #tpu.memory_space<hbm>> -> memref<1x40960x256xf32, #tpu.memory_space<hbm>>
        %dma_start3A_44 = tpu.memref_squeeze %dma_start3A_43 : memref<1x40960x256xf32, #tpu.memory_space<hbm>> -> memref<40960x256xf32, #tpu.memory_space<hbm>>
        %dma_start3A_45 = arith.constant 0 : i32
        %dma_start3A_46 = tpu.memref_slice %dma_start3A_44[%add3A_16, %dma_start3A_45] : memref<40960x256xf32, #tpu.memory_space<hbm>> -> memref<128x256xf32, #tpu.memory_space<hbm>>
        tpu.enqueue_dma source(%arg9 : memref<128x256xf32, #tpu.memory_space<vmem>>) target(%dma_start3A_46 : memref<128x256xf32, #tpu.memory_space<hbm>>) target_semaphore(%run_scoped3A_34 : memref<!tpu.dma_semaphore, #tpu.memory_space<semaphore_mem>>)
        %dma_wait3A_47 = arith.constant 0 : i32
        %dma_wait3A_48 = arith.constant 0 : i32
        %dma_wait3A_49 = tpu.memref_slice %arg6[%run_scoped3A, %dma_wait3A_47, %dma_wait3A_48] : memref<2x40960x256xf32, #tpu.memory_space<hbm>> -> memref<1x40960x256xf32, #tpu.memory_space<hbm>>
        %dma_wait3A_50 = tpu.memref_squeeze %dma_wait3A_49 : memref<1x40960x256xf32, #tpu.memory_space<hbm>> -> memref<40960x256xf32, #tpu.memory_space<hbm>>
        %dma_wait3A_51 = arith.constant 0 : i32
        %dma_wait3A_52 = tpu.memref_slice %dma_wait3A_50[%add3A_16, %dma_wait3A_51] : memref<40960x256xf32, #tpu.memory_space<hbm>> -> memref<128x256xf32, #tpu.memory_space<hbm>>
        %dma_wait3A_53 = arith.constant 0 : i32
        %dma_wait3A_54 = arith.constant 0 : i32
        %dma_wait3A_55 = tpu.memref_slice %arg6[%run_scoped3A, %dma_wait3A_53, %dma_wait3A_54] : memref<2x40960x256xf32, #tpu.memory_space<hbm>> -> memref<1x40960x256xf32, #tpu.memory_space<hbm>>
        %dma_wait3A_56 = tpu.memref_squeeze %dma_wait3A_55 : memref<1x40960x256xf32, #tpu.memory_space<hbm>> -> memref<40960x256xf32, #tpu.memory_space<hbm>>
        %dma_wait3A_57 = arith.constant 0 : i32
        %dma_wait3A_58 = tpu.memref_slice %dma_wait3A_56[%add3A_16, %dma_wait3A_57] : memref<40960x256xf32, #tpu.memory_space<hbm>> -> memref<128x256xf32, #tpu.memory_space<hbm>>
        tpu.wait_dma2 semaphore(%run_scoped3A_34 : memref<!tpu.dma_semaphore, #tpu.memory_space<semaphore_mem>>) src(%arg9 : memref<128x256xf32, #tpu.memory_space<vmem>>) dst(%dma_wait3A_58 : memref<128x256xf32, #tpu.memory_space<hbm>>)
        tpu.yield
      }) : () -> ()
      %dma_wait3A_29 = tpu.memref_slice %arg8[%mul3A_18] : memref<1280xi32, #tpu.memory_space<vmem>> -> memref<128xi32, #tpu.memory_space<vmem>>
      %dma_wait3A_30 = arith.constant 0 : i32
      %dma_wait3A_31 = arith.constant 0 : i32
      %dma_wait3A_32 = tpu.memref_slice %arg3[%dma_wait3A_30, %dma_wait3A_31] : memref<10000x256xf32, #tpu.memory_space<hbm>> -> memref<10000x256xf32, #tpu.memory_space<hbm>>
      tpu.wait_indirect_dma semaphore(%arg12 : memref<!tpu.dma_semaphore, #tpu.memory_space<semaphore_mem>>) src(%dma_wait3A_32 : memref<10000x256xf32, #tpu.memory_space<hbm>>) dst(%arg10 : memref<128x256xf32, #tpu.memory_space<vmem>>)
      %run_scoped3A_33 = arith.constant 1 : i32
      "tpu.region"() ({
        %run_scoped3A_34 = tpu.sem_alloc : memref<!tpu.dma_semaphore, #tpu.memory_space<semaphore_mem>>
        %dma_start3A_35 = arith.constant 0 : i32
        %dma_start3A_36 = arith.constant 0 : i32
        %dma_start3A_37 = tpu.memref_slice %arg6[%run_scoped3A_33, %dma_start3A_35, %dma_start3A_36] : memref<2x40960x256xf32, #tpu.memory_space<hbm>> -> memref<1x40960x256xf32, #tpu.memory_space<hbm>>
        %dma_start3A_38 = tpu.memref_squeeze %dma_start3A_37 : memref<1x40960x256xf32, #tpu.memory_space<hbm>> -> memref<40960x256xf32, #tpu.memory_space<hbm>>
        %dma_start3A_39 = arith.constant 0 : i32
        %dma_start3A_40 = tpu.memref_slice %dma_start3A_38[%add3A_16, %dma_start3A_39] : memref<40960x256xf32, #tpu.memory_space<hbm>> -> memref<128x256xf32, #tpu.memory_space<hbm>>
        %dma_start3A_41 = arith.constant 0 : i32
        %dma_start3A_42 = arith.constant 0 : i32
        %dma_start3A_43 = tpu.memref_slice %arg6[%run_scoped3A_33, %dma_start3A_41, %dma_start3A_42] : memref<2x40960x256xf32, #tpu.memory_space<hbm>> -> memref<1x40960x256xf32, #tpu.memory_space<hbm>>
        %dma_start3A_44 = tpu.memref_squeeze %dma_start3A_43 : memref<1x40960x256xf32, #tpu.memory_space<hbm>> -> memref<40960x256xf32, #tpu.memory_space<hbm>>
        %dma_start3A_45 = arith.constant 0 : i32
        %dma_start3A_46 = tpu.memref_slice %dma_start3A_44[%add3A_16, %dma_start3A_45] : memref<40960x256xf32, #tpu.memory_space<hbm>> -> memref<128x256xf32, #tpu.memory_space<hbm>>
        tpu.enqueue_dma source(%arg10 : memref<128x256xf32, #tpu.memory_space<vmem>>) target(%dma_start3A_46 : memref<128x256xf32, #tpu.memory_space<hbm>>) target_semaphore(%run_scoped3A_34 : memref<!tpu.dma_semaphore, #tpu.memory_space<semaphore_mem>>)
        %dma_wait3A_47 = arith.constant 0 : i32
        %dma_wait3A_48 = arith.constant 0 : i32
        %dma_wait3A_49 = tpu.memref_slice %arg6[%run_scoped3A_33, %dma_wait3A_47, %dma_wait3A_48] : memref<2x40960x256xf32, #tpu.memory_space<hbm>> -> memref<1x40960x256xf32, #tpu.memory_space<hbm>>
        %dma_wait3A_50 = tpu.memref_squeeze %dma_wait3A_49 : memref<1x40960x256xf32, #tpu.memory_space<hbm>> -> memref<40960x256xf32, #tpu.memory_space<hbm>>
        %dma_wait3A_51 = arith.constant 0 : i32
        %dma_wait3A_52 = tpu.memref_slice %dma_wait3A_50[%add3A_16, %dma_wait3A_51] : memref<40960x256xf32, #tpu.memory_space<hbm>> -> memref<128x256xf32, #tpu.memory_space<hbm>>
        %dma_wait3A_53 = arith.constant 0 : i32
        %dma_wait3A_54 = arith.constant 0 : i32
        %dma_wait3A_55 = tpu.memref_slice %arg6[%run_scoped3A_33, %dma_wait3A_53, %dma_wait3A_54] : memref<2x40960x256xf32, #tpu.memory_space<hbm>> -> memref<1x40960x256xf32, #tpu.memory_space<hbm>>
        %dma_wait3A_56 = tpu.memref_squeeze %dma_wait3A_55 : memref<1x40960x256xf32, #tpu.memory_space<hbm>> -> memref<40960x256xf32, #tpu.memory_space<hbm>>
        %dma_wait3A_57 = arith.constant 0 : i32
        %dma_wait3A_58 = tpu.memref_slice %dma_wait3A_56[%add3A_16, %dma_wait3A_57] : memref<40960x256xf32, #tpu.memory_space<hbm>> -> memref<128x256xf32, #tpu.memory_space<hbm>>
        tpu.wait_dma2 semaphore(%run_scoped3A_34 : memref<!tpu.dma_semaphore, #tpu.memory_space<semaphore_mem>>) src(%arg10 : memref<128x256xf32, #tpu.memory_space<vmem>>) dst(%dma_wait3A_58 : memref<128x256xf32, #tpu.memory_space<hbm>>)
        tpu.yield
      }) : () -> ()
    }
    %scan3A_8 = arith.constant 10 : i32
    return
  }
}

module attributes {stable_mosaic.version = 14 : i64} {
  func.func @body(%arg0: i32, %arg1: memref<1000x256xf32, #tpu.memory_space<vmem>>, %arg2: memref<256x256xf32, #tpu.memory_space<vmem>>, %arg3: memref<2x1000x128xf32, #tpu.memory_space<vmem>>, %arg4: memref<2x1000x128xf32, #tpu.memory_space<vmem>>) attributes {dimension_semantics = [#tpu.dimension_semantics<arbitrary>], iteration_bounds = array<i64: 10>, scalar_prefetch = 0 : i64, scratch_operands = 0 : i64, tpu.core_type = #tpu.core_type<tc>, window_params = [{transform_indices = @transform_0, window_bounds = array<i64: 1000, 256>}, {pipeline_mode = #tpu.pipeline_mode<synchronous>, transform_indices = @transform_1, window_bounds = array<i64: 256, 256>}, {transform_indices = @transform_2, window_bounds = array<i64: 2, 1000, 128>}, {transform_indices = @transform_3, window_bounds = array<i64: 2, 1000, 128>}]} {
    %get3A = arith.constant 0 : index
    %get3A_0 = arith.constant 0 : index
    %get3A_1 = vector.load %arg1[%get3A, %get3A_0] : memref<1000x256xf32, #tpu.memory_space<vmem>>, vector<1000x256xf32>
    %get3A_2 = arith.constant 0 : index
    %get3A_3 = arith.constant 0 : index
    %get3A_4 = vector.load %arg2[%get3A_2, %get3A_3] : memref<256x256xf32, #tpu.memory_space<vmem>>, vector<256x256xf32>
    %dot_general3A = arith.constant dense<0.000000e+00> : vector<1000x256xf32>
    %dot_general3A_5 = tpu.matmul %get3A_1, %get3A_4, %dot_general3A {dimension_numbers = #tpu.dot_dimension_numbers<[1], [0], [0], [1], [0, 0, 1, 1], [], []>, transpose_lhs_hint = false} : vector<1000x256xf32>, vector<256x256xf32>, vector<1000x256xf32> -> vector<1000x256xf32>
    %get3A_6 = arith.constant 0 : index
    %get3A_7 = arith.constant 0 : index
    %get3A_8 = arith.constant 0 : index
    %get3A_9 = vector.load %arg3[%get3A_6, %get3A_7, %get3A_8] : memref<2x1000x128xf32, #tpu.memory_space<vmem>>, vector<1x1000x128xf32>
    %get3A_10 = vector.shape_cast %get3A_9 : vector<1x1000x128xf32> to vector<1000x128xf32>
    %slice3A = vector.extract_strided_slice %get3A_10 {offsets = [0, 0], sizes = [1000, 1], strides = [1, 1]} : vector<1000x128xf32> to vector<1000x1xf32>
    %get3A_11 = arith.constant 1 : index
    %get3A_12 = arith.constant 0 : index
    %get3A_13 = arith.constant 0 : index
    %get3A_14 = vector.load %arg3[%get3A_11, %get3A_12, %get3A_13] : memref<2x1000x128xf32, #tpu.memory_space<vmem>>, vector<1x1000x128xf32>
    %get3A_15 = vector.shape_cast %get3A_14 : vector<1x1000x128xf32> to vector<1000x128xf32>
    %slice3A_16 = vector.extract_strided_slice %get3A_15 {offsets = [0, 0], sizes = [1000, 1], strides = [1, 1]} : vector<1000x128xf32> to vector<1000x1xf32>
    %add3A = arith.addf %slice3A, %slice3A_16 : vector<1000x1xf32>
    %add3A_17 = arith.constant 1.000000e+00 : f32
    %add3A_18 = vector.broadcast %add3A_17 : f32 to vector<1000x1xf32>
    %add3A_19 = arith.addf %add3A, %add3A_18 : vector<1000x1xf32>
    %rsqrt3A = math.rsqrt %add3A_19 : vector<1000x1xf32>
    %mul3A = vector.broadcast %rsqrt3A : vector<1000x1xf32> to vector<1000x256xf32>
    %mul3A_20 = arith.mulf %dot_general3A_5, %mul3A : vector<1000x256xf32>
    %slice3A_21 = vector.extract_strided_slice %mul3A_20 {offsets = [0, 0], sizes = [1000, 128], strides = [1, 1]} : vector<1000x256xf32> to vector<1000x128xf32>
    %swap3A = arith.constant 0 : index
    %swap3A_22 = arith.constant 0 : index
    %swap3A_23 = arith.constant 0 : index
    %swap3A_24 = vector.load %arg4[%swap3A, %swap3A_22, %swap3A_23] : memref<2x1000x128xf32, #tpu.memory_space<vmem>>, vector<1x1000x128xf32>
    %swap3A_25 = vector.shape_cast %swap3A_24 : vector<1x1000x128xf32> to vector<1000x128xf32>
    %swap3A_26 = vector.shape_cast %slice3A_21 : vector<1000x128xf32> to vector<1x1000x128xf32>
    tpu.vector_store %arg4[%swap3A, %swap3A_22, %swap3A_23], %swap3A_26 {strides = array<i32>} : memref<2x1000x128xf32, #tpu.memory_space<vmem>>, vector<1x1000x128xf32>,
    %slice3A_27 = vector.extract_strided_slice %mul3A_20 {offsets = [0, 128], sizes = [1000, 128], strides = [1, 1]} : vector<1000x256xf32> to vector<1000x128xf32>
    %swap3A_28 = arith.constant 1 : index
    %swap3A_29 = arith.constant 0 : index
    %swap3A_30 = arith.constant 0 : index
    %swap3A_31 = vector.load %arg4[%swap3A_28, %swap3A_29, %swap3A_30] : memref<2x1000x128xf32, #tpu.memory_space<vmem>>, vector<1x1000x128xf32>
    %swap3A_32 = vector.shape_cast %swap3A_31 : vector<1x1000x128xf32> to vector<1000x128xf32>
    %swap3A_33 = vector.shape_cast %slice3A_27 : vector<1000x128xf32> to vector<1x1000x128xf32>
    tpu.vector_store %arg4[%swap3A_28, %swap3A_29, %swap3A_30], %swap3A_33 {strides = array<i32>} : memref<2x1000x128xf32, #tpu.memory_space<vmem>>, vector<1x1000x128xf32>,
    return
  }
  func.func @transform_0(%arg0: i32) -> (i32, i32) {
    %c0_i32 = arith.constant 0 : i32
    %c0_i32_0 = arith.constant 0 : i32
    return %arg0, %c0_i32 : i32, i32
  }
  func.func @transform_1(%arg0: i32) -> (i32, i32) {
    %c0_i32 = arith.constant 0 : i32
    %c0_i32_0 = arith.constant 0 : i32
    %c0_i32_1 = arith.constant 0 : i32
    return %c0_i32, %c0_i32_0 : i32, i32
  }
  func.func @transform_2(%arg0: i32) -> (i32, i32, i32) {
    %c0_i32 = arith.constant 0 : i32
    %c0_i32_0 = arith.constant 0 : i32
    %c0_i32_1 = arith.constant 0 : i32
    return %c0_i32, %arg0, %c0_i32_0 : i32, i32, i32
  }
  func.func @transform_3(%arg0: i32) -> (i32, i32, i32) {
    %c0_i32 = arith.constant 0 : i32
    %c0_i32_0 = arith.constant 0 : i32
    %c0_i32_1 = arith.constant 0 : i32
    return %c0_i32, %arg0, %c0_i32_0 : i32, i32, i32
  }
}

module attributes {stable_mosaic.version = 14 : i64} {
  func.func @body(%arg0: i32, %arg1: memref<2x1000x128xf32, #tpu.memory_space<vmem>>, %arg2: memref<2x1000x128xf32, #tpu.memory_space<vmem>>, %arg3: memref<2x1000x128xf32, #tpu.memory_space<vmem>>, %arg4: memref<1000x256xf32, #tpu.memory_space<vmem>>, %arg5: memref<256xf32, #tpu.memory_space<vmem>>, %arg6: memref<256x256xf32, #tpu.memory_space<vmem>>, %arg7: memref<256x256xf32, #tpu.memory_space<vmem>>, %arg8: memref<1000x256xf32, #tpu.memory_space<vmem>>, %arg9: memref<1000x256xf32, #tpu.memory_space<vmem>>) attributes {dimension_semantics = [#tpu.dimension_semantics<arbitrary>], iteration_bounds = array<i64: 10>, scalar_prefetch = 0 : i64, scratch_operands = 0 : i64, tpu.core_type = #tpu.core_type<tc>, window_params = [{transform_indices = @transform_0, window_bounds = array<i64: 2, 1000, 128>}, {transform_indices = @transform_1, window_bounds = array<i64: 2, 1000, 128>}, {transform_indices = @transform_2, window_bounds = array<i64: 2, 1000, 128>}, {transform_indices = @transform_3, window_bounds = array<i64: 1000, 256>}, {pipeline_mode = #tpu.pipeline_mode<synchronous>, transform_indices = @transform_4, window_bounds = array<i64: 256>}, {pipeline_mode = #tpu.pipeline_mode<synchronous>, transform_indices = @transform_5, window_bounds = array<i64: 256, 256>}, {pipeline_mode = #tpu.pipeline_mode<synchronous>, transform_indices = @transform_6, window_bounds = array<i64: 256, 256>}, {transform_indices = @transform_7, window_bounds = array<i64: 1000, 256>}, {transform_indices = @transform_8, window_bounds = array<i64: 1000, 256>}]} {
    %get3A = arith.constant 0 : index
    %get3A_0 = arith.constant 0 : index
    %get3A_1 = arith.constant 0 : index
    %get3A_2 = vector.load %arg1[%get3A, %get3A_0, %get3A_1] : memref<2x1000x128xf32, #tpu.memory_space<vmem>>, vector<1x1000x128xf32>
    %get3A_3 = vector.shape_cast %get3A_2 : vector<1x1000x128xf32> to vector<1000x128xf32>
    %get3A_4 = arith.constant 1 : index
    %get3A_5 = arith.constant 0 : index
    %get3A_6 = arith.constant 0 : index
    %get3A_7 = vector.load %arg1[%get3A_4, %get3A_5, %get3A_6] : memref<2x1000x128xf32, #tpu.memory_space<vmem>>, vector<1x1000x128xf32>
    %get3A_8 = vector.shape_cast %get3A_7 : vector<1x1000x128xf32> to vector<1000x128xf32>
    %concatenate3A = tpu.concatenate %get3A_3, %get3A_8 in 1 : vector<1000x128xf32>, vector<1000x128xf32> -> vector<1000x256xf32>
    %get3A_9 = arith.constant 0 : index
    %get3A_10 = arith.constant 0 : index
    %get3A_11 = arith.constant 0 : index
    %get3A_12 = vector.load %arg2[%get3A_9, %get3A_10, %get3A_11] : memref<2x1000x128xf32, #tpu.memory_space<vmem>>, vector<1x1000x128xf32>
    %get3A_13 = vector.shape_cast %get3A_12 : vector<1x1000x128xf32> to vector<1000x128xf32>
    %get3A_14 = arith.constant 1 : index
    %get3A_15 = arith.constant 0 : index
    %get3A_16 = arith.constant 0 : index
    %get3A_17 = vector.load %arg2[%get3A_14, %get3A_15, %get3A_16] : memref<2x1000x128xf32, #tpu.memory_space<vmem>>, vector<1x1000x128xf32>
    %get3A_18 = vector.shape_cast %get3A_17 : vector<1x1000x128xf32> to vector<1000x128xf32>
    %concatenate3A_19 = tpu.concatenate %get3A_13, %get3A_18 in 1 : vector<1000x128xf32>, vector<1000x128xf32> -> vector<1000x256xf32>
    %get3A_20 = arith.constant 0 : index
    %get3A_21 = arith.constant 0 : index
    %get3A_22 = arith.constant 0 : index
    %get3A_23 = vector.load %arg3[%get3A_20, %get3A_21, %get3A_22] : memref<2x1000x128xf32, #tpu.memory_space<vmem>>, vector<1x1000x128xf32>
    %get3A_24 = vector.shape_cast %get3A_23 : vector<1x1000x128xf32> to vector<1000x128xf32>
    %slice3A = vector.extract_strided_slice %get3A_24 {offsets = [0, 0], sizes = [1000, 1], strides = [1, 1]} : vector<1000x128xf32> to vector<1000x1xf32>
    %get3A_25 = arith.constant 1 : index
    %get3A_26 = arith.constant 0 : index
    %get3A_27 = arith.constant 0 : index
    %get3A_28 = vector.load %arg3[%get3A_25, %get3A_26, %get3A_27] : memref<2x1000x128xf32, #tpu.memory_space<vmem>>, vector<1x1000x128xf32>
    %get3A_29 = vector.shape_cast %get3A_28 : vector<1x1000x128xf32> to vector<1000x128xf32>
    %slice3A_30 = vector.extract_strided_slice %get3A_29 {offsets = [0, 0], sizes = [1000, 1], strides = [1, 1]} : vector<1000x128xf32> to vector<1000x1xf32>
    %add3A = arith.addf %slice3A, %slice3A_30 : vector<1000x1xf32>
    %add3A_31 = arith.constant 1.000000e+00 : f32
    %add3A_32 = vector.broadcast %add3A_31 : f32 to vector<1000x1xf32>
    %add3A_33 = arith.addf %add3A, %add3A_32 : vector<1000x1xf32>
    %rsqrt3A = math.rsqrt %add3A_33 : vector<1000x1xf32>
    %add3A_34 = arith.addf %concatenate3A, %concatenate3A_19 : vector<1000x256xf32>
    %mul3A = vector.broadcast %rsqrt3A : vector<1000x1xf32> to vector<1000x256xf32>
    %mul3A_35 = arith.mulf %add3A_34, %mul3A : vector<1000x256xf32>
    %get3A_36 = arith.constant 0 : index
    %get3A_37 = vector.load %arg5[%get3A_36] : memref<256xf32, #tpu.memory_space<vmem>>, vector<256xf32>
    %broadcast_in_dim3A = vector.shape_cast %get3A_37 : vector<256xf32> to vector<1x256xf32>
    %add3A_38 = vector.broadcast %broadcast_in_dim3A : vector<1x256xf32> to vector<1000x256xf32>
    %add3A_39 = arith.addf %mul3A_35, %add3A_38 : vector<1000x256xf32>
    %max3A = arith.constant 0.000000e+00 : f32
    %max3A_40 = vector.broadcast %max3A : f32 to vector<1000x256xf32>
    %max3A_41 = arith.maximumf %add3A_39, %max3A_40 : vector<1000x256xf32>
    %get3A_42 = arith.constant 0 : index
    %get3A_43 = arith.constant 0 : index
    %get3A_44 = vector.load %arg4[%get3A_42, %get3A_43] : memref<1000x256xf32, #tpu.memory_space<vmem>>, vector<1000x256xf32>
    %add3A_45 = arith.addf %max3A_41, %get3A_44 : vector<1000x256xf32>
    %get3A_46 = arith.constant 0 : index
    %get3A_47 = arith.constant 0 : index
    %get3A_48 = vector.load %arg6[%get3A_46, %get3A_47] : memref<256x256xf32, #tpu.memory_space<vmem>>, vector<256x256xf32>
    %dot_general3A = arith.constant dense<0.000000e+00> : vector<1000x256xf32>
    %dot_general3A_49 = tpu.matmul %add3A_45, %get3A_48, %dot_general3A {dimension_numbers = #tpu.dot_dimension_numbers<[1], [0], [0], [1], [0, 0, 1, 1], [], []>, transpose_lhs_hint = false} : vector<1000x256xf32>, vector<256x256xf32>, vector<1000x256xf32> -> vector<1000x256xf32>
    %swap3A = arith.constant 0 : index
    %swap3A_50 = arith.constant 0 : index
    %swap3A_51 = vector.load %arg8[%swap3A, %swap3A_50] : memref<1000x256xf32, #tpu.memory_space<vmem>>, vector<1000x256xf32>
    tpu.vector_store %arg8[%swap3A, %swap3A_50], %dot_general3A_49 {strides = array<i32>} : memref<1000x256xf32, #tpu.memory_space<vmem>>, vector<1000x256xf32>,
    %get3A_52 = arith.constant 0 : index
    %get3A_53 = arith.constant 0 : index
    %get3A_54 = vector.load %arg7[%get3A_52, %get3A_53] : memref<256x256xf32, #tpu.memory_space<vmem>>, vector<256x256xf32>
    %dot_general3A_55 = arith.constant dense<0.000000e+00> : vector<1000x256xf32>
    %dot_general3A_56 = tpu.matmul %add3A_45, %get3A_54, %dot_general3A_55 {dimension_numbers = #tpu.dot_dimension_numbers<[1], [0], [0], [1], [0, 0, 1, 1], [], []>, transpose_lhs_hint = false} : vector<1000x256xf32>, vector<256x256xf32>, vector<1000x256xf32> -> vector<1000x256xf32>
    %swap3A_57 = arith.constant 0 : index
    %swap3A_58 = arith.constant 0 : index
    %swap3A_59 = vector.load %arg9[%swap3A_57, %swap3A_58] : memref<1000x256xf32, #tpu.memory_space<vmem>>, vector<1000x256xf32>
    tpu.vector_store %arg9[%swap3A_57, %swap3A_58], %dot_general3A_56 {strides = array<i32>} : memref<1000x256xf32, #tpu.memory_space<vmem>>, vector<1000x256xf32>,
    return
  }
  func.func @transform_0(%arg0: i32) -> (i32, i32, i32) {
    %c0_i32 = arith.constant 0 : i32
    %c0_i32_0 = arith.constant 0 : i32
    %c0_i32_1 = arith.constant 0 : i32
    return %c0_i32, %arg0, %c0_i32_0 : i32, i32, i32
  }
  func.func @transform_1(%arg0: i32) -> (i32, i32, i32) {
    %c0_i32 = arith.constant 0 : i32
    %c0_i32_0 = arith.constant 0 : i32
    %c0_i32_1 = arith.constant 0 : i32
    return %c0_i32, %arg0, %c0_i32_0 : i32, i32, i32
  }
  func.func @transform_2(%arg0: i32) -> (i32, i32, i32) {
    %c0_i32 = arith.constant 0 : i32
    %c0_i32_0 = arith.constant 0 : i32
    %c0_i32_1 = arith.constant 0 : i32
    return %c0_i32, %arg0, %c0_i32_0 : i32, i32, i32
  }
  func.func @transform_3(%arg0: i32) -> (i32, i32) {
    %c0_i32 = arith.constant 0 : i32
    %c0_i32_0 = arith.constant 0 : i32
    return %arg0, %c0_i32 : i32, i32
  }
  func.func @transform_4(%arg0: i32) -> i32 {
    %c0_i32 = arith.constant 0 : i32
    %c0_i32_0 = arith.constant 0 : i32
    return %c0_i32 : i32
  }
  func.func @transform_5(%arg0: i32) -> (i32, i32) {
    %c0_i32 = arith.constant 0 : i32
    %c0_i32_0 = arith.constant 0 : i32
    %c0_i32_1 = arith.constant 0 : i32
    return %c0_i32, %c0_i32_0 : i32, i32
  }
  func.func @transform_6(%arg0: i32) -> (i32, i32) {
    %c0_i32 = arith.constant 0 : i32
    %c0_i32_0 = arith.constant 0 : i32
    %c0_i32_1 = arith.constant 0 : i32
    return %c0_i32, %c0_i32_0 : i32, i32
  }
  func.func @transform_7(%arg0: i32) -> (i32, i32) {
    %c0_i32 = arith.constant 0 : i32
    %c0_i32_0 = arith.constant 0 : i32
    return %arg0, %c0_i32 : i32, i32
  }
  func.func @transform_8(%arg0: i32) -> (i32, i32) {
    %c0_i32 = arith.constant 0 : i32
    %c0_i32_0 = arith.constant 0 : i32
    return %arg0, %c0_i32 : i32, i32
  }
}

module attributes {stable_mosaic.version = 14 : i64} {
  func.func @body(%arg0: i32, %arg1: memref<2x2000x256xf32, #tpu.memory_space<vmem>>, %arg2: memref<256xf32, #tpu.memory_space<vmem>>, %arg3: memref<256x256xf32, #tpu.memory_space<vmem>>, %arg4: memref<256xf32, #tpu.memory_space<vmem>>, %arg5: memref<256x1xf32, #tpu.memory_space<vmem>>, %arg6: memref<1xf32, #tpu.memory_space<vmem>>, %arg7: memref<2000x1xf32, #tpu.memory_space<vmem>>) attributes {dimension_semantics = [#tpu.dimension_semantics<arbitrary>], iteration_bounds = array<i64: 20>, scalar_prefetch = 0 : i64, scratch_operands = 0 : i64, tpu.core_type = #tpu.core_type<tc>, window_params = [{transform_indices = @transform_0, window_bounds = array<i64: 2, 2000, 256>}, {pipeline_mode = #tpu.pipeline_mode<synchronous>, transform_indices = @transform_1, window_bounds = array<i64: 256>}, {pipeline_mode = #tpu.pipeline_mode<synchronous>, transform_indices = @transform_2, window_bounds = array<i64: 256, 256>}, {pipeline_mode = #tpu.pipeline_mode<synchronous>, transform_indices = @transform_3, window_bounds = array<i64: 256>}, {pipeline_mode = #tpu.pipeline_mode<synchronous>, transform_indices = @transform_4, window_bounds = array<i64: 256, 1>}, {pipeline_mode = #tpu.pipeline_mode<synchronous>, transform_indices = @transform_5, window_bounds = array<i64: 1>}, {transform_indices = @transform_6, window_bounds = array<i64: 2000, 1>}]} {
    %get3A = arith.constant 0 : index
    %get3A_0 = arith.constant 0 : index
    %get3A_1 = arith.constant 0 : index
    %get3A_2 = vector.load %arg1[%get3A, %get3A_0, %get3A_1] : memref<2x2000x256xf32, #tpu.memory_space<vmem>>, vector<1x2000x256xf32>
    %get3A_3 = vector.shape_cast %get3A_2 : vector<1x2000x256xf32> to vector<2000x256xf32>
    %get3A_4 = arith.constant 1 : index
    %get3A_5 = arith.constant 0 : index
    %get3A_6 = arith.constant 0 : index
    %get3A_7 = vector.load %arg1[%get3A_4, %get3A_5, %get3A_6] : memref<2x2000x256xf32, #tpu.memory_space<vmem>>, vector<1x2000x256xf32>
    %get3A_8 = vector.shape_cast %get3A_7 : vector<1x2000x256xf32> to vector<2000x256xf32>
    %add3A = arith.addf %get3A_3, %get3A_8 : vector<2000x256xf32>
    %get3A_9 = arith.constant 0 : index
    %get3A_10 = vector.load %arg2[%get3A_9] : memref<256xf32, #tpu.memory_space<vmem>>, vector<256xf32>
    %broadcast_in_dim3A = vector.shape_cast %get3A_10 : vector<256xf32> to vector<1x256xf32>
    %add3A_11 = vector.broadcast %broadcast_in_dim3A : vector<1x256xf32> to vector<2000x256xf32>
    %add3A_12 = arith.addf %add3A, %add3A_11 : vector<2000x256xf32>
    %gt3A = arith.constant 0.000000e+00 : f32
    %gt3A_13 = vector.broadcast %gt3A : f32 to vector<2000x256xf32>
    %gt3A_14 = arith.cmpf ogt, %add3A_12, %gt3A_13 : vector<2000x256xf32>
    %mul3A = arith.constant 0.00999999977 : f32
    %mul3A_15 = vector.broadcast %mul3A : f32 to vector<2000x256xf32>
    %mul3A_16 = arith.mulf %mul3A_15, %add3A_12 : vector<2000x256xf32>
    %select_n3A = arith.select %gt3A_14, %add3A_12, %mul3A_16 : vector<2000x256xi1>, vector<2000x256xf32>
    %get3A_17 = arith.constant 0 : index
    %get3A_18 = arith.constant 0 : index
    %get3A_19 = vector.load %arg3[%get3A_17, %get3A_18] : memref<256x256xf32, #tpu.memory_space<vmem>>, vector<256x256xf32>
    %dot_general3A = arith.constant dense<0.000000e+00> : vector<2000x256xf32>
    %dot_general3A_20 = tpu.matmul %select_n3A, %get3A_19, %dot_general3A {dimension_numbers = #tpu.dot_dimension_numbers<[1], [0], [0], [1], [0, 0, 1, 1], [], []>, transpose_lhs_hint = false} : vector<2000x256xf32>, vector<256x256xf32>, vector<2000x256xf32> -> vector<2000x256xf32>
    %get3A_21 = arith.constant 0 : index
    %get3A_22 = vector.load %arg4[%get3A_21] : memref<256xf32, #tpu.memory_space<vmem>>, vector<256xf32>
    %broadcast_in_dim3A_23 = vector.shape_cast %get3A_22 : vector<256xf32> to vector<1x256xf32>
    %add3A_24 = vector.broadcast %broadcast_in_dim3A_23 : vector<1x256xf32> to vector<2000x256xf32>
    %add3A_25 = arith.addf %dot_general3A_20, %add3A_24 : vector<2000x256xf32>
    %gt3A_26 = arith.constant 0.000000e+00 : f32
    %gt3A_27 = vector.broadcast %gt3A_26 : f32 to vector<2000x256xf32>
    %gt3A_28 = arith.cmpf ogt, %add3A_25, %gt3A_27 : vector<2000x256xf32>
    %mul3A_29 = arith.constant 0.00999999977 : f32
    %mul3A_30 = vector.broadcast %mul3A_29 : f32 to vector<2000x256xf32>
    %mul3A_31 = arith.mulf %mul3A_30, %add3A_25 : vector<2000x256xf32>
    %select_n3A_32 = arith.select %gt3A_28, %add3A_25, %mul3A_31 : vector<2000x256xi1>, vector<2000x256xf32>
    %get3A_33 = arith.constant 0 : index
    %get3A_34 = arith.constant 0 : index
    %get3A_35 = vector.load %arg5[%get3A_33, %get3A_34] : memref<256x1xf32, #tpu.memory_space<vmem>>, vector<256x1xf32>
    %dot_general3A_36 = arith.constant dense<0.000000e+00> : vector<2000x1xf32>
    %dot_general3A_37 = tpu.matmul %select_n3A_32, %get3A_35, %dot_general3A_36 {dimension_numbers = #tpu.dot_dimension_numbers<[1], [0], [0], [1], [0, 0, 1, 1], [], []>, transpose_lhs_hint = false} : vector<2000x256xf32>, vector<256x1xf32>, vector<2000x1xf32> -> vector<2000x1xf32>
    %get3A_38 = arith.constant 0 : index
    %get3A_39 = vector.load %arg6[%get3A_38] : memref<1xf32, #tpu.memory_space<vmem>>, vector<1xf32>
    %broadcast_in_dim3A_40 = vector.shape_cast %get3A_39 : vector<1xf32> to vector<1x1xf32>
    %add3A_41 = vector.broadcast %broadcast_in_dim3A_40 : vector<1x1xf32> to vector<2000x1xf32>
    %add3A_42 = arith.addf %dot_general3A_37, %add3A_41 : vector<2000x1xf32>
    %custom_jvp_call3A = arith.constant 0.000000e+00 : f32
    %max3A = vector.broadcast %custom_jvp_call3A : f32 to vector<2000x1xf32>
    %max3A_43 = arith.maximumf %add3A_42, %max3A : vector<2000x1xf32>
    %sub3A = vector.broadcast %custom_jvp_call3A : f32 to vector<2000x1xf32>
    %sub3A_44 = arith.subf %add3A_42, %sub3A : vector<2000x1xf32>
    %ne3A = arith.cmpf one, %sub3A_44, %sub3A_44 : vector<2000x1xf32>
    %add3A_45 = vector.broadcast %custom_jvp_call3A : f32 to vector<2000x1xf32>
    %add3A_46 = arith.addf %add3A_42, %add3A_45 : vector<2000x1xf32>
    %abs3A = math.absf %sub3A_44 : vector<2000x1xf32>
    %neg3A = arith.constant 0.000000e+00 : f32
    %neg3A_47 = vector.broadcast %neg3A : f32 to vector<2000x1xf32>
    %neg3A_48 = arith.subf %neg3A_47, %abs3A : vector<2000x1xf32>
    %exp3A = math.exp %neg3A_48 : vector<2000x1xf32>
    %log1p3A = math.log1p %exp3A : vector<2000x1xf32>
    %add3A_49 = arith.addf %max3A_43, %log1p3A : vector<2000x1xf32>
    %select_n3A_50 = arith.select %ne3A, %add3A_46, %add3A_49 : vector<2000x1xi1>, vector<2000x1xf32>
    %tanh3A = math.tanh %select_n3A_50 : vector<2000x1xf32>
    %add3A_51 = arith.constant 1.000000e+00 : f32
    %add3A_52 = vector.broadcast %add3A_51 : f32 to vector<2000x1xf32>
    %add3A_53 = arith.addf %tanh3A, %add3A_52 : vector<2000x1xf32>
    %mul3A_54 = arith.constant 2.400000e+02 : f32
    %mul3A_55 = vector.broadcast %mul3A_54 : f32 to vector<2000x1xf32>
    %mul3A_56 = arith.mulf %add3A_53, %mul3A_55 : vector<2000x1xf32>
    %add3A_57 = arith.constant 0.000000e+00 : f32
    %add3A_58 = vector.broadcast %add3A_57 : f32 to vector<2000x1xf32>
    %add3A_59 = arith.addf %mul3A_56, %add3A_58 : vector<2000x1xf32>
    %jit3A = arith.constant 0.000000e+00 : f32
    %jit3A_60 = arith.constant 4.800000e+02 : f32
    %max3A_61 = vector.broadcast %jit3A : f32 to vector<2000x1xf32>
    %max3A_62 = arith.maximumf %max3A_61, %add3A_59 : vector<2000x1xf32>
    %min3A = vector.broadcast %jit3A_60 : f32 to vector<2000x1xf32>
    %min3A_63 = arith.minimumf %min3A, %max3A_62 : vector<2000x1xf32>
    %swap3A = arith.constant 0 : index
    %swap3A_64 = arith.constant 0 : index
    %swap3A_65 = vector.load %arg7[%swap3A, %swap3A_64] : memref<2000x1xf32, #tpu.memory_space<vmem>>, vector<2000x1xf32>
    tpu.vector_store %arg7[%swap3A, %swap3A_64], %min3A_63 {strides = array<i32>} : memref<2000x1xf32, #tpu.memory_space<vmem>>, vector<2000x1xf32>,
    return
  }
  func.func @transform_0(%arg0: i32) -> (i32, i32, i32) {
    %c0_i32 = arith.constant 0 : i32
    %c0_i32_0 = arith.constant 0 : i32
    %c0_i32_1 = arith.constant 0 : i32
    return %c0_i32, %arg0, %c0_i32_0 : i32, i32, i32
  }
  func.func @transform_1(%arg0: i32) -> i32 {
    %c0_i32 = arith.constant 0 : i32
    %c0_i32_0 = arith.constant 0 : i32
    return %c0_i32 : i32
  }
  func.func @transform_2(%arg0: i32) -> (i32, i32) {
    %c0_i32 = arith.constant 0 : i32
    %c0_i32_0 = arith.constant 0 : i32
    %c0_i32_1 = arith.constant 0 : i32
    return %c0_i32, %c0_i32_0 : i32, i32
  }
  func.func @transform_3(%arg0: i32) -> i32 {
    %c0_i32 = arith.constant 0 : i32
    %c0_i32_0 = arith.constant 0 : i32
    return %c0_i32 : i32
  }
  func.func @transform_4(%arg0: i32) -> (i32, i32) {
    %c0_i32 = arith.constant 0 : i32
    %c0_i32_0 = arith.constant 0 : i32
    %c0_i32_1 = arith.constant 0 : i32
    return %c0_i32, %c0_i32_0 : i32, i32
  }
  func.func @transform_5(%arg0: i32) -> i32 {
    %c0_i32 = arith.constant 0 : i32
    %c0_i32_0 = arith.constant 0 : i32
    return %c0_i32 : i32
  }
  func.func @transform_6(%arg0: i32) -> (i32, i32) {
    %c0_i32 = arith.constant 0 : i32
    %c0_i32_0 = arith.constant 0 : i32
    return %arg0, %c0_i32 : i32, i32
  }
}

</mosaic_0001>

<sc_bundles>
// kernel: kernel.10.cloned.1.call-start
scs
__scs_entry_jumppad:
0x0: {  	(pc) =	sbr.rel $0x88, $3  }
0x1: {  	(tag) =	ssettag $0x0;
	lr =	simm.s32 $0x1  }
0x2: {  	[smem:$0x3F96] =	sst lr;
	_ =	strace $0xD0000000  }
0x3: {  	_ = 	snop  }
0x4: {  	_ = 	snop  }
0x5: {  	_ = 	snop  }
0x6: {  	_ = 	snop  }
0x7: {  	_ = 	snop  }
__scs_overlays_trampoline_lowered:
0x8: {  	[smem:$0x3FA5] =	sst s0  }
0x9: {  	[smem:$0x3FA6] =	sst s1  }
0xa: {  	[smem:$0x3FA7] =	sst s2  }
0xb: {  	[smem:$0x3FA8] =	sst s3  }
0xc: {  	[smem:$0x3FA9] =	sst s4  }
0xd: {  	[smem:$0x3FAA] =	sst s5  }
0xe: {  	[smem:$0x3FAB] =	sst s6  }
0xf: {  	[smem:$0x3FAC] =	sst s7  }
0x10: {  	[smem:$0x3FAD] =	sst s8  }
0x11: {  	[smem:$0x3FAE] =	sst s9;
	s0 =	simm.s32 @!p0 $0x0  }
0x12: {  	s1 =	sld [smem:$0x3F94];
	s0 =	simm.s32 @p0 $0x1  }
0x13: {  	[smem:$0x3FAF] =	sst s0;
	s0 =	simm.s32 @!p1 $0x0  }
0x14: {  	s2 =	sld [smem:$0x3F93];
	s0 =	simm.s32 @p1 $0x1  }
0x15: {  	[smem:$0x3FB0] =	sst s0;
	s0 =	simm.s32 @!p2 $0x0  }
0x16: {  	s3 =	sld [smem:$0x3FDB];
	s0 =	simm.s32 @p2 $0x1  }
0x17: {  	s4 =	simm.s32 $0x1BF5;
	[smem:$0x3FB2] =	sst s0  }
0x18: {  	s0 =	sld [smem:$0x3F95];
	_ =	swait.ge [sflag:s4], $0x0  }
0x19: {  	s7 =	sld [smem:$0x3F96]  }
0x1a: {  	s8 =	sadd.s32 $0xFFFFE003, lr  }
0x1b: {  	s9 =	sadd.s32 $0xFFFFFEF7, lr;
	s5 =	simm.s32 $0xFFFFFFFF;
	p2 =	slt.u32 s8, $0xFFFFF086  }
0x1c: {  	p1 =	slt.u32 s9, $0xF7A;
	s5 =	simm.s32 @!p2 $0x0  }
0x1d: {  	s5 =	simm.s32 @p1 $0x1;
	p0 =	seq.s32 s7, s2  }
0x1e: {  	s7 =	smul.u32 @!p0 $0xF7A, s2;
	p2 =	seq.s32 @!p0 s5, $0x0  }
0x1f: {  	s9 =	smul.u32 $0xF7A, s1;
	s8 =	simm.s32 @!p0 $0x1BF5;
	p2 =	por !p2, p0  }
0x20: {  	[sflag:s8] =	ssyncset.s32 @!p0 $0xFFFFF086;
	s6 =	sadd.s32 @!p0 s3, s7;
	s7 =	simm.s32 @!p0 $0x108  }
0x21: {  	s3 =	sadd.s32 s3, s9;
	s6 =	sadd.s32 @!p0 $0x88, s6;
	s7 =	simm.s32 @p2 $0x1082  }
0x22: {  	[simem:s7], [sflag:s8] =	dma.local @!p0 [hbm:s6], $0xF7A  }
0x23: {  	s9 =	sor.u32 $0xD0000000, s2;
	s6 =	simm.s32 $0x108;
	_ =	swait.ge @!p0 [sflag:s8], $0x0  }
0x24: {  	s3 =	sadd.s32 $0x88, s3;
	s6 =	simm.s32 @!p1 $0x1082;
	[sflag:s4] =	ssyncset.s32 $0xFFFFF086  }
0x25: {  	[simem:s6], [sflag:s4] =	dma.local [hbm:s3], $0xF7A  }
0x26: {  	[smem:$0x3F96] =	sst s1;
	(tag) =	ssettag s2;
	_ =	strace s9  }
0x27: {  	s1 =	sld [smem:$0x3FA6]  }
0x28: {  	s2 =	sld [smem:$0x3FA7]  }
0x29: {  	s4 =	sld [smem:$0x3FA9]  }
0x2a: {  	p0 =	seq.s32 s5, $0x0;
	s5 =	sld [smem:$0x3FAA]  }
0x2b: {  	s6 =	sld [smem:$0x3FAB]  }
0x2c: {  	s7 =	sld [smem:$0x3FAC]  }
0x2d: {  	s3 =	simm.s32 $0x108;
	s8 =	sld [smem:$0x3FAD]  }
0x2e: {  	s3 =	simm.s32 @!p0 $0x1082;
	s9 =	sld [smem:$0x3FAE]  }
0x2f: {  	lr =	sadd.s32 s0, s3;
	s0 =	sld [smem:$0x3FA5]  }
0x30: {  	s3 =	sld [smem:$0x3FA8]  }
0x31: {  	[smem:$0x3FB1] =	sst s10  }
0x32: {  	s10 =	sld [smem:$0x3FAF];
	_ =	sdelay $0x3  }
0x33: {  	p0 =	seq.s32 s10, $0x1;
	s10 =	sld [smem:$0x3FB1];
	_ =	sdelay $0x3  }
0x34: {  	[smem:$0x3FB1] =	sst s10  }
0x35: {  	s10 =	sld [smem:$0x3FB0];
	_ =	sdelay $0x3  }
0x36: {  	p1 =	seq.s32 s10, $0x1;
	s10 =	sld [smem:$0x3FB1];
	_ =	sdelay $0x3  }
0x37: {  	[smem:$0x3FB1] =	sst s10  }
0x38: {  	s10 =	sld [smem:$0x3FB2]  }
0x39: {  	_ = 	snop;
	(pc) =	sbr.ind lr, $3  }
0x3a: {  	_ = 	snop  }
0x3b: {  	_ = 	snop  }
0x3c: {  	p2 =	seq.s32 s10, $0x1;
	s10 =	sld [smem:$0x3FB1]  }
0x3d: {  	_ =	shalt  }
0x3e: {  	_ =	shalt  }
0x3f: {  	_ =	shalt  }
0x40: {  	_ =	shalt  }
0x41: {  	_ =	shalt  }
0x42: {  	_ =	shalt  }
0x43: {  	_ =	shalt  }
0x44: {  	_ =	shalt  }
0x45: {  	_ =	shalt  }
0x46: {  	_ =	shalt  }
0x47: {  	_ =	shalt  }
0x48: {  	_ =	shalt  }
0x49: {  	_ =	shalt  }
0x4a: {  	_ =	shalt  }
0x4b: {  	_ =	shalt  }
0x4c: {  	_ =	shalt  }
0x4d: {  	_ =	shalt  }
0x4e: {  	_ =	shalt  }
0x4f: {  	_ =	shalt  }
0x50: {  	_ =	shalt  }
0x51: {  	_ =	shalt  }
0x52: {  	_ =	shalt  }
0x53: {  	_ =	shalt  }
0x54: {  	_ =	shalt  }
0x55: {  	_ =	shalt  }
0x56: {  	_ =	shalt  }
0x57: {  	_ =	shalt  }
0x58: {  	_ =	shalt  }
0x59: {  	_ =	shalt  }
0x5a: {  	_ =	shalt  }
0x5b: {  	_ =	shalt  }
0x5c: {  	_ =	shalt  }
0x5d: {  	_ =	shalt  }
0x5e: {  	_ =	shalt  }
0x5f: {  	_ =	shalt  }
0x60: {  	_ =	shalt  }
0x61: {  	_ =	shalt  }
0x62: {  	_ =	shalt  }
0x63: {  	_ =	shalt  }
0x64: {  	_ =	shalt  }
0x65: {  	_ =	shalt  }
0x66: {  	_ =	shalt  }
0x67: {  	_ =	shalt  }
0x68: {  	_ =	shalt  }
0x69: {  	_ =	shalt  }
0x6a: {  	_ =	shalt  }
0x6b: {  	_ =	shalt  }
0x6c: {  	_ =	shalt  }
0x6d: {  	_ =	shalt  }
0x6e: {  	_ =	shalt  }
0x6f: {  	_ =	shalt  }
0x70: {  	_ =	shalt  }
0x71: {  	_ =	shalt  }
0x72: {  	_ =	shalt  }
0x73: {  	_ =	shalt  }
0x74: {  	_ =	shalt  }
0x75: {  	_ =	shalt  }
0x76: {  	_ =	shalt  }
0x77: {  	_ =	shalt  }
0x78: {  	_ =	shalt  }
0x79: {  	_ =	shalt  }
0x7a: {  	_ =	shalt  }
0x7b: {  	_ =	shalt  }
0x7c: {  	_ =	shalt  }
0x7d: {  	_ =	shalt  }
0x7e: {  	_ =	shalt  }
0x7f: {  	_ =	shalt  }
0x80: {  	_ =	shalt  }
0x81: {  	_ =	shalt  }
0x82: {  	_ =	shalt  }
0x83: {  	_ =	shalt  }
0x84: {  	_ =	shalt  }
0x85: {  	_ =	shalt  }
0x86: {  	_ =	shalt  }
0x87: {  	_ =	shalt  }
.Lfunc_end0:
.L_simem_size_0:
called_computation_lowered:
.L_overlay_start_0:
0x88: {  	s2 =	sld [smem:$0x3FD9]  }
0x89: {  	s3 =	sld [smem:$0x3FFE];
	_ =	sdelay $0x1  }
0x8a: {  	s1 =	srdreg.scid  }
0x8b: {  	s0 =	sand.u32 $0x1, s1  }
0x8c: {  	s17 =	sshll.u32 s0, $0xA;
	s2 =	sadd.s32 s3, s2  }
0x8d: {  	s2 =	sadd.s32 s2, s17  }
0x8e: {  	[smem:$0x3FBD] =	sst s2  }
0x8f: {  	_ = 	snop  }
0x90: {  	s2 =	sld [smem:$0x3FD0];
	(tm) =	ssettm $0x1  }
0x91: {  	s18 =	sld [smem:$0x3FFB];
	_ =	sdelay $0x3  }
0x92: {  	_ =	strace s18  }
0x93: {  	s3 =	sld [smem:$0x3FFC];
	_ =	sdelay $0x3  }
0x94: {  	_ =	strace s3  }
0x95: {  	s3 =	sld [smem:$0x3FFD];
	_ =	sdelay $0x3  }
0x96: {  	_ =	strace s3  }
0x97: {  	_ =	strace $0x8FFFFFFF  }
0x98: {  	s19 =	sld [smem:$0x3FDB];
	_ =	sdelay $0x1  }
0x99: {  	s4 =	simm.s32 $_scs_section_size  }
0x9a: {  	s5 =	simm.s32 $_size__tile_overlayer_lowered;
	s6 =	simm.s32 $_tile_overlayer_lowered  }
0x9b: {  	s22 =	simm.s32 $0x1BFF;
	s21 =	sshll.u32 s6, $0x1;
	s3 =	sadd.s32 s4, s19  }
0x9c: {  	s7 =	simm.s32 $0x0;
	s20 =	sshll.u32 s5, $0x1;
	s5 =	sadd.s32 s21, s3  }
0x9d: {  	[timem:s7], [sflag:s22] =	dma.local [hbm:s5], s20  }
0x9e: {  	_ =	swait.ge [sflag:s22], s20  }
0x9f: {  	s4 =	ssub.s32 $0x0, s20;
	[sflag:s22] =	ssyncset.done $0x0  }
0xa0: {  	[sflag:s22] =	ssyncadd.s32 s4;
	_ =	sdelay $0x1  }
0xa1: {  	s23 =	simm.s32 $0x1B8B  }
0xa2: {  	_ =	swait.ge [sflag:s23], $0x1  }
0xa3: {  	[sflag:s23] =	ssyncset.done $0x0  }
0xa4: {  	s25 =	simm.s32 $0x1B8E;
	s24 =	sld [smem:$0x3FFE];
	[sflag:s23] =	ssyncadd.s32 $0xFFFFFFFF  }
0xa5: {  	s26 =	simm.s32 $execute0_lowered;
	[smem:$0x3FD2] =	sst s25  }
0xa6: {  	s5 =	sshll.u32 s26, $0x1;
	_ =	strace $0x80000046;
	[dreg:$0x1] =	wrdreg $0xFFFFFFFF  }
0xa7: {  	s28 =	simm.s32 $_size_execute0_lowered;
	s3 =	sadd.s32 s3, s5;
	[dreg:$0x0] =	wrdreg $0x0  }
0xa8: {  	s5 =	sshll.u32 s28, $0x1;
	[dreg:$0x2] =	wrdreg s3  }
0xa9: {  	[dreg:$0x3] =	wrdreg s5  }
0xaa: {  	[dreg:$0x4] =	wrdreg $0xC0  }
0xab: {  	_ =	task [dreg:s7], $0x5FFFF  }
0xac: {  	[dreg:$0x1] =	wrdreg $0xFFFFFFFF  }
0xad: {  	[dreg:$0x0] =	wrdreg $0x60  }
0xae: {  	[dreg:$0x2] =	wrdreg s24  }
0xaf: {  	[dreg:$0x3] =	wrdreg s2  }
0xb0: {  	[dreg:$0x4] =	wrdreg $0x54000  }
0xb1: {  	[dreg:$0x5] =	wrdreg $0x9  }
0xb2: {  	_ =	task.clear_ibuf [dreg:s7], $0x6FFFF;
	_ =	strace $0x90000046  }
0xb3: {  	s29 =	simm.s32 $0x9;
	_ =	strace $0x80000048  }
0xb4: {  	_ =	swait.ge [sflag:s29], $0x1  }
0xb5: {  	[sflag:s29] =	ssyncadd.s32 $0xFFFFFFFF  }
0xb6: {  	_ =	strace $0x90000048  }
0xb7: {  	_ =	sfence  }
0xb8: {  	s30 =	sld [smem:$0x0];
	_ =	sdelay $0x2  }
0xb9: {  	s31 =	sshll.u32 s1, $0xD;
	s1 =	sshrl.u32 s1, $0x2  }
0xba: {  	s3 =	sand.u32 $0x4000, s31;
	s1 =	sadd.s32 s1, s30  }
0xbb: {  	s0 =	sor.u32 s3, s0;
	s1 =	sshll.u32 s1, $0x11  }
0xbc: {  	s0 =	sor.u32 s1, s0  }
0xbd: {  	s0 =	sadd.s32 $0x8F2B, s0  }
0xbe: {  	[sflag:s0] =	ssyncadd.remote.s32 $0x1  }
0xbf: {  	_ =	sfence.sel $0xFFFF  }
0xc0: {  	[dreg:$0x0] =	wrdreg $0xFFFFFFFF;
	(pc) =	sbr.abs _section_cstart, $3  }
0xc1: {  	[dreg:$0x1] =	wrdreg $0xFFFFFFFF  }
0xc2: {  	_ =	task.clear_ibuf [dreg:s7], $0x2FFFF;
	_ =	strace $0x9FFFFFFF  }
0xc3: {  	(tm) =	ssettm $0x7FFFFFFF  }
tec
execute0_lowered:
.L_overlay_start_1:
0x0: {  	(tag) =	ssettag $0x1  }
0x1: {  	s6 =	rddreg [dreg:$0x0]  }
0x2: {  	s2 =	rddreg [dreg:$0x1];
	s1 =	srdreg.scid  }
0x3: {  	s0 =	stileid.u32;
	s3 =	rddreg [dreg:$0x2]  }
0x4: {  	s4 =	simm.s32 $0x0;
	s12 =	simm.s32 $0x80;
	s5 =	sand.u32 $0x1, s1  }
0x5: {  	s7 =	sshll.u32 s0, $0x1;
	s1 =	rddreg [dreg:$0x3];
	s8 =	smul.u32 $0x50000, s0  }
0x6: {  	[smem:$0x7FF] =	sst s4;
	s14 =	smul.u32 $0x2800, s0;
	s31 =	sshll.u32 s0, $0x6  }
0x7: {  	s7 =	sor.u32 s5, s7;
	_ =	strace $0x80000047;
	s9 =	smul.u32 $0x28000, s5  }
0x8: {  	s10 =	ssub.s32 $0x2, s5;
	s5 =	sadd.s32 $0x7200, s6;
	s7 =	smul.u32 $0x280, s7  }
0x9: {  	s11 =	sshrl.u32 s10, $0x1;
	s8 =	sshrl.u32 s8, $0x2;
	s9 =	sadd.s32 s9, s6  }
0xa: {  	s10 =	ssub.s32 s10, s11;
	s30 =	sadd.s32 s8, s3;
	s8 =	simm.s32 $0x1400  }
0xb: {  	s7 =	sadd.s32 s7, s6;
	s13 =	sadd.s32 $0x7A00, s9;
	s9 =	simm.s32 $0x1  }
0xc: {  	s11 =	sshrl.u32 s30, $0x3;
	s6 =	sadd.s32 $0x2200, s7;
	s7 =	smax.u32 s10, $0x1  }
0xd: {  	s10 =	sor.u32 $0x1C01, s31;
	s13 =	sadd.s32 s14, s13;
	s14 =	simm.s32 $0x0  }
.LBB2_1:
0xe: {  	[tilespmem:s8], [sflag:$0x1] =	stream.linear.gather [hbm4b:s5+s4], $0x4000, $0x38;
	[tilespmem:$0x19400] =	vst v63  }
0xf: {  	_ =	swait.ge [sflag:s9], $0x4000  }
0x10: {  	[sflag:s9] =	ssyncset.done $0x0  }
0x11: {  	[sflag:s9] =	ssyncadd.s32 $0xFFFFC000  }
0x12: {  	[spmem:s11], [sflag:s10] =	dma.local [hbm:s2], $0x2800  }
0x13: {  	_ =	swait.ge [sflag:s9], $0x2800  }
0x14: {  	[sflag:s9] =	ssyncset.done $0x0  }
0x15: {  	[sflag:s9] =	ssyncadd.s32 $0xFFFFD800  }
0x16: {  	[tilespmem:s4], [sflag:$0x1] =	stream.linear.gather [hbm4b:s6+s4], $0x1400, $0x38;
	[tilespmem:$0x19400] =	vst v63  }
0x17: {  	_ =	swait.ge [sflag:s9], $0x1400  }
0x18: {  	[sflag:s9] =	ssyncset.done $0x0  }
0x19: {  	[sflag:s9] =	ssyncadd.s32 $0xFFFFEC00  }
0x1a: {  	s15 =	simm.s32 $0x0;
	[bflag:$0x0] =	sbarrier.arrive $0xFFFF  }
0x1b: {  	[spmem:s3] =	stream.indirect.scatter.add.f32 [tilespmem:s8], [sflag:$0x1], $0x80, s15, s12, $0xb8;
	[tilespmem:$0x19400] =	vst v63  }
0x1c: {  	_ =	swait.ge [sflag:s9], $0x4000  }
0x1d: {  	s15 =	simm.s32 $0x200;
	[sflag:s9] =	ssyncset.done $0x0  }
.LBB2_2:
0x1e: {  	s16 =	sshra.s32 s15, $0x2;
	[sflag:s9] =	ssyncadd.s32 $0xFFFFC000;
	p0 =	sne.s32 s15, $0x4E00  }
0x1f: {  	[spmem:s3] =	stream.indirect.scatter.add.f32 [tilespmem:s8], [sflag:$0x1], $0x80, s16, s12, $0xb8;
	[tilespmem:$0x19400] =	vst v63  }
.Ltmp0:
0x20: {  	_ = 	snop;
	(pc) =	sbr.rel @p0 .LBB2_2-.Ltmp0, $4  }
0x21: {  	_ = 	snop  }
0x22: {  	s15 =	sadd.s32 $0x200, s15  }
0x23: {  	_ =	swait.ge [sflag:s9], $0x4000  }
0x24: {  	[sflag:s9] =	ssyncset.done $0x0  }
0x25: {  	s14 =	sadd.s32 $0x1, s14  }
0x26: {  	[sflag:s9] =	ssyncadd.s32 $0xFFFFC000;
	p0 =	sne.s32 s14, s7  }
.Ltmp1:
0x27: {  	[bflag:$0x0] =	sbarrier.arrive $0xFFFF;
	(pc) =	sbr.rel @p0 .LBB2_1-.Ltmp1, $4  }
0x28: {  	[hbm:s13], [sflag:s10] =	dma.local [spmem:s11], $0x2800  }
0x29: {  	_ =	swait.ge [sflag:s9], $0x2800  }
0x2a: {  	[sflag:s9] =	ssyncset.done $0x0  }
0x2b: {  	[sflag:s9] =	ssyncadd.s32 $0xFFFFD800  }
0x2c: {  	_ =	sfence.sel $0x180000  }
0x2d: {  	[bflag:$0x0] =	sbarrier.arrive $0xFFFF  }
0x2e: {  	p0 =	sne.s32 s0, $0x0;
	_ =	strace $0x90000047  }
0x2f: {  	s0 =	sadd.s32 @!p0 $0x100000, s1;
	[bflag:$0x2] =	sbarrier.arrive $0xFFFF  }
0x30: {  	[sflag:s0] =	ssyncadd.tile.s32 @!p0 $0x1;
	_ =	shalt  }
.Lfunc_end2:
_tile_overlayer_lowered:
.L_overlay_start_2:
0x31: {  	(tag) =	ssettag $0x2  }
0x32: {  	s0 =	rddreg [dreg:$0x0];
	s2 =	stileid.u32  }
0x33: {  	s1 =	rddreg [dreg:$0x1];
	p0 =	sne.s32 s2, $0x0  }
0x34: {  	s3 =	rddreg [dreg:$0x2];
	[bflag:$0x3] =	sbarrier.arrive $0xFFFF;
	s2 =	simm.s32 @!p0 $0x1C01  }
0x35: {  	[timem:s3], [sflag:s2] =	dma.local @!p0 [hbm:s0], s1  }
0x36: {  	s0 =	simm.s32 @!p0 $0x1  }
0x37: {  	_ =	swait.ge @!p0 [sflag:s0], s1  }
0x38: {  	s1 =	ssub.s32 @!p0 $0x0, s1;
	[sflag:s0] =	ssyncset.done @!p0 $0x0  }
0x39: {  	[sflag:s0] =	ssyncadd.s32 @!p0 s1  }
0x3a: {  	[bflag:$0x3] =	sbarrier.arrive $0xFFFF  }
0x3b: {  	_ =	shalt  }

// kernel: kernel.13.cloned.1.call-start
scs
__scs_entry_jumppad:
0x0: {  	(pc) =	sbr.rel $0x88, $3  }
0x1: {  	(tag) =	ssettag $0x0;
	lr =	simm.s32 $0x1  }
0x2: {  	[smem:$0x3F96] =	sst lr;
	_ =	strace $0xD0000000  }
0x3: {  	_ = 	snop  }
0x4: {  	_ = 	snop  }
0x5: {  	_ = 	snop  }
0x6: {  	_ = 	snop  }
0x7: {  	_ = 	snop  }
__scs_overlays_trampoline_lowered:
0x8: {  	[smem:$0x3FA5] =	sst s0  }
0x9: {  	[smem:$0x3FA6] =	sst s1  }
0xa: {  	[smem:$0x3FA7] =	sst s2  }
0xb: {  	[smem:$0x3FA8] =	sst s3  }
0xc: {  	[smem:$0x3FA9] =	sst s4  }
0xd: {  	[smem:$0x3FAA] =	sst s5  }
0xe: {  	[smem:$0x3FAB] =	sst s6  }
0xf: {  	[smem:$0x3FAC] =	sst s7  }
0x10: {  	[smem:$0x3FAD] =	sst s8  }
0x11: {  	[smem:$0x3FAE] =	sst s9;
	s0 =	simm.s32 @!p0 $0x0  }
0x12: {  	s1 =	sld [smem:$0x3F94];
	s0 =	simm.s32 @p0 $0x1  }
0x13: {  	[smem:$0x3FAF] =	sst s0;
	s0 =	simm.s32 @!p1 $0x0  }
0x14: {  	s2 =	sld [smem:$0x3F93];
	s0 =	simm.s32 @p1 $0x1  }
0x15: {  	[smem:$0x3FB0] =	sst s0;
	s0 =	simm.s32 @!p2 $0x0  }
0x16: {  	s3 =	sld [smem:$0x3FDB];
	s0 =	simm.s32 @p2 $0x1  }
0x17: {  	s4 =	simm.s32 $0x1BF5;
	[smem:$0x3FB2] =	sst s0  }
0x18: {  	s0 =	sld [smem:$0x3F95];
	_ =	swait.ge [sflag:s4], $0x0  }
0x19: {  	s7 =	sld [smem:$0x3F96]  }
0x1a: {  	s8 =	sadd.s32 $0xFFFFE003, lr  }
0x1b: {  	s9 =	sadd.s32 $0xFFFFFEF7, lr;
	s5 =	simm.s32 $0xFFFFFFFF;
	p2 =	slt.u32 s8, $0xFFFFF086  }
0x1c: {  	p1 =	slt.u32 s9, $0xF7A;
	s5 =	simm.s32 @!p2 $0x0  }
0x1d: {  	s5 =	simm.s32 @p1 $0x1;
	p0 =	seq.s32 s7, s2  }
0x1e: {  	s7 =	smul.u32 @!p0 $0xF7A, s2;
	p2 =	seq.s32 @!p0 s5, $0x0  }
0x1f: {  	s9 =	smul.u32 $0xF7A, s1;
	s8 =	simm.s32 @!p0 $0x1BF5;
	p2 =	por !p2, p0  }
0x20: {  	[sflag:s8] =	ssyncset.s32 @!p0 $0xFFFFF086;
	s6 =	sadd.s32 @!p0 s3, s7;
	s7 =	simm.s32 @!p0 $0x108  }
0x21: {  	s3 =	sadd.s32 s3, s9;
	s6 =	sadd.s32 @!p0 $0x88, s6;
	s7 =	simm.s32 @p2 $0x1082  }
0x22: {  	[simem:s7], [sflag:s8] =	dma.local @!p0 [hbm:s6], $0xF7A  }
0x23: {  	s9 =	sor.u32 $0xD0000000, s2;
	s6 =	simm.s32 $0x108;
	_ =	swait.ge @!p0 [sflag:s8], $0x0  }
0x24: {  	s3 =	sadd.s32 $0x88, s3;
	s6 =	simm.s32 @!p1 $0x1082;
	[sflag:s4] =	ssyncset.s32 $0xFFFFF086  }
0x25: {  	[simem:s6], [sflag:s4] =	dma.local [hbm:s3], $0xF7A  }
0x26: {  	[smem:$0x3F96] =	sst s1;
	(tag) =	ssettag s2;
	_ =	strace s9  }
0x27: {  	s1 =	sld [smem:$0x3FA6]  }
0x28: {  	s2 =	sld [smem:$0x3FA7]  }
0x29: {  	s4 =	sld [smem:$0x3FA9]  }
0x2a: {  	p0 =	seq.s32 s5, $0x0;
	s5 =	sld [smem:$0x3FAA]  }
0x2b: {  	s6 =	sld [smem:$0x3FAB]  }
0x2c: {  	s7 =	sld [smem:$0x3FAC]  }
0x2d: {  	s3 =	simm.s32 $0x108;
	s8 =	sld [smem:$0x3FAD]  }
0x2e: {  	s3 =	simm.s32 @!p0 $0x1082;
	s9 =	sld [smem:$0x3FAE]  }
0x2f: {  	lr =	sadd.s32 s0, s3;
	s0 =	sld [smem:$0x3FA5]  }
0x30: {  	s3 =	sld [smem:$0x3FA8]  }
0x31: {  	[smem:$0x3FB1] =	sst s10  }
0x32: {  	s10 =	sld [smem:$0x3FAF];
	_ =	sdelay $0x3  }
0x33: {  	p0 =	seq.s32 s10, $0x1;
	s10 =	sld [smem:$0x3FB1];
	_ =	sdelay $0x3  }
0x34: {  	[smem:$0x3FB1] =	sst s10  }
0x35: {  	s10 =	sld [smem:$0x3FB0];
	_ =	sdelay $0x3  }
0x36: {  	p1 =	seq.s32 s10, $0x1;
	s10 =	sld [smem:$0x3FB1];
	_ =	sdelay $0x3  }
0x37: {  	[smem:$0x3FB1] =	sst s10  }
0x38: {  	s10 =	sld [smem:$0x3FB2]  }
0x39: {  	_ = 	snop;
	(pc) =	sbr.ind lr, $3  }
0x3a: {  	_ = 	snop  }
0x3b: {  	_ = 	snop  }
0x3c: {  	p2 =	seq.s32 s10, $0x1;
	s10 =	sld [smem:$0x3FB1]  }
0x3d: {  	_ =	shalt  }
0x3e: {  	_ =	shalt  }
0x3f: {  	_ =	shalt  }
0x40: {  	_ =	shalt  }
0x41: {  	_ =	shalt  }
0x42: {  	_ =	shalt  }
0x43: {  	_ =	shalt  }
0x44: {  	_ =	shalt  }
0x45: {  	_ =	shalt  }
0x46: {  	_ =	shalt  }
0x47: {  	_ =	shalt  }
0x48: {  	_ =	shalt  }
0x49: {  	_ =	shalt  }
0x4a: {  	_ =	shalt  }
0x4b: {  	_ =	shalt  }
0x4c: {  	_ =	shalt  }
0x4d: {  	_ =	shalt  }
0x4e: {  	_ =	shalt  }
0x4f: {  	_ =	shalt  }
0x50: {  	_ =	shalt  }
0x51: {  	_ =	shalt  }
0x52: {  	_ =	shalt  }
0x53: {  	_ =	shalt  }
0x54: {  	_ =	shalt  }
0x55: {  	_ =	shalt  }
0x56: {  	_ =	shalt  }
0x57: {  	_ =	shalt  }
0x58: {  	_ =	shalt  }
0x59: {  	_ =	shalt  }
0x5a: {  	_ =	shalt  }
0x5b: {  	_ =	shalt  }
0x5c: {  	_ =	shalt  }
0x5d: {  	_ =	shalt  }
0x5e: {  	_ =	shalt  }
0x5f: {  	_ =	shalt  }
0x60: {  	_ =	shalt  }
0x61: {  	_ =	shalt  }
0x62: {  	_ =	shalt  }
0x63: {  	_ =	shalt  }
0x64: {  	_ =	shalt  }
0x65: {  	_ =	shalt  }
0x66: {  	_ =	shalt  }
0x67: {  	_ =	shalt  }
0x68: {  	_ =	shalt  }
0x69: {  	_ =	shalt  }
0x6a: {  	_ =	shalt  }
0x6b: {  	_ =	shalt  }
0x6c: {  	_ =	shalt  }
0x6d: {  	_ =	shalt  }
0x6e: {  	_ =	shalt  }
0x6f: {  	_ =	shalt  }
0x70: {  	_ =	shalt  }
0x71: {  	_ =	shalt  }
0x72: {  	_ =	shalt  }
0x73: {  	_ =	shalt  }
0x74: {  	_ =	shalt  }
0x75: {  	_ =	shalt  }
0x76: {  	_ =	shalt  }
0x77: {  	_ =	shalt  }
0x78: {  	_ =	shalt  }
0x79: {  	_ =	shalt  }
0x7a: {  	_ =	shalt  }
0x7b: {  	_ =	shalt  }
0x7c: {  	_ =	shalt  }
0x7d: {  	_ =	shalt  }
0x7e: {  	_ =	shalt  }
0x7f: {  	_ =	shalt  }
0x80: {  	_ =	shalt  }
0x81: {  	_ =	shalt  }
0x82: {  	_ =	shalt  }
0x83: {  	_ =	shalt  }
0x84: {  	_ =	shalt  }
0x85: {  	_ =	shalt  }
0x86: {  	_ =	shalt  }
0x87: {  	_ =	shalt  }
.Lfunc_end0:
.L_simem_size_0:
called_computation.1_lowered:
.L_overlay_start_0:
0x88: {  	s2 =	sld [smem:$0x3FD9]  }
0x89: {  	s3 =	sld [smem:$0x3FFE];
	_ =	sdelay $0x1  }
0x8a: {  	s1 =	srdreg.scid  }
0x8b: {  	s0 =	sand.u32 $0x1, s1  }
0x8c: {  	s17 =	sshll.u32 s0, $0xA;
	s2 =	sadd.s32 s3, s2  }
0x8d: {  	s2 =	sadd.s32 s2, s17  }
0x8e: {  	[smem:$0x3FBD] =	sst s2  }
0x8f: {  	_ = 	snop  }
0x90: {  	s2 =	sld [smem:$0x3FD0];
	(tm) =	ssettm $0x1  }
0x91: {  	s18 =	sld [smem:$0x3FFB];
	_ =	sdelay $0x3  }
0x92: {  	_ =	strace s18  }
0x93: {  	s3 =	sld [smem:$0x3FFC];
	_ =	sdelay $0x3  }
0x94: {  	_ =	strace s3  }
0x95: {  	s3 =	sld [smem:$0x3FFD];
	_ =	sdelay $0x3  }
0x96: {  	_ =	strace s3  }
0x97: {  	_ =	strace $0x8FFFFFFF  }
0x98: {  	s19 =	sld [smem:$0x3FDB];
	_ =	sdelay $0x1  }
0x99: {  	s4 =	simm.s32 $_scs_section_size  }
0x9a: {  	s5 =	simm.s32 $_size__tile_overlayer_lowered;
	s6 =	simm.s32 $_tile_overlayer_lowered  }
0x9b: {  	s22 =	simm.s32 $0x1BFF;
	s21 =	sshll.u32 s6, $0x1;
	s3 =	sadd.s32 s4, s19  }
0x9c: {  	s7 =	simm.s32 $0x0;
	s20 =	sshll.u32 s5, $0x1;
	s5 =	sadd.s32 s21, s3  }
0x9d: {  	[timem:s7], [sflag:s22] =	dma.local [hbm:s5], s20  }
0x9e: {  	_ =	swait.ge [sflag:s22], s20  }
0x9f: {  	s4 =	ssub.s32 $0x0, s20;
	[sflag:s22] =	ssyncset.done $0x0  }
0xa0: {  	[sflag:s22] =	ssyncadd.s32 s4;
	_ =	sdelay $0x1  }
0xa1: {  	s23 =	simm.s32 $0x1B8B  }
0xa2: {  	_ =	swait.ge [sflag:s23], $0x1  }
0xa3: {  	[sflag:s23] =	ssyncset.done $0x0  }
0xa4: {  	s25 =	simm.s32 $0x1B8E;
	s24 =	sld [smem:$0x3FFE];
	[sflag:s23] =	ssyncadd.s32 $0xFFFFFFFF  }
0xa5: {  	s26 =	simm.s32 $execute0_lowered;
	[smem:$0x3FD2] =	sst s25  }
0xa6: {  	s5 =	sshll.u32 s26, $0x1;
	_ =	strace $0x80000049;
	[dreg:$0x1] =	wrdreg $0xFFFFFFFF  }
0xa7: {  	s28 =	simm.s32 $_size_execute0_lowered;
	s3 =	sadd.s32 s3, s5;
	[dreg:$0x0] =	wrdreg $0x0  }
0xa8: {  	s5 =	sshll.u32 s28, $0x1;
	[dreg:$0x2] =	wrdreg s3  }
0xa9: {  	[dreg:$0x3] =	wrdreg s5  }
0xaa: {  	[dreg:$0x4] =	wrdreg $0xC0  }
0xab: {  	_ =	task [dreg:s7], $0x5FFFF  }
0xac: {  	[dreg:$0x1] =	wrdreg $0xFFFFFFFF  }
0xad: {  	[dreg:$0x0] =	wrdreg $0x60  }
0xae: {  	[dreg:$0x2] =	wrdreg s24  }
0xaf: {  	[dreg:$0x3] =	wrdreg s2  }
0xb0: {  	[dreg:$0x4] =	wrdreg $0x90000  }
0xb1: {  	[dreg:$0x5] =	wrdreg $0x9  }
0xb2: {  	_ =	task.clear_ibuf [dreg:s7], $0x6FFFF;
	_ =	strace $0x90000049  }
0xb3: {  	s29 =	simm.s32 $0x9;
	_ =	strace $0x8000004B  }
0xb4: {  	_ =	swait.ge [sflag:s29], $0x1  }
0xb5: {  	[sflag:s29] =	ssyncadd.s32 $0xFFFFFFFF  }
0xb6: {  	_ =	strace $0x9000004B  }
0xb7: {  	_ =	sfence  }
0xb8: {  	s30 =	sld [smem:$0x0];
	_ =	sdelay $0x2  }
0xb9: {  	s31 =	sshll.u32 s1, $0xD;
	s1 =	sshrl.u32 s1, $0x2  }
0xba: {  	s3 =	sand.u32 $0x4000, s31;
	s1 =	sadd.s32 s1, s30  }
0xbb: {  	s0 =	sor.u32 s3, s0;
	s1 =	sshll.u32 s1, $0x11  }
0xbc: {  	s0 =	sor.u32 s1, s0  }
0xbd: {  	s0 =	sadd.s32 $0x8F2B, s0  }
0xbe: {  	[sflag:s0] =	ssyncadd.remote.s32 $0x1  }
0xbf: {  	_ =	sfence.sel $0xFFFF  }
0xc0: {  	[dreg:$0x0] =	wrdreg $0xFFFFFFFF;
	(pc) =	sbr.abs _section_cstart, $3  }
0xc1: {  	[dreg:$0x1] =	wrdreg $0xFFFFFFFF  }
0xc2: {  	_ =	task.clear_ibuf [dreg:s7], $0x2FFFF;
	_ =	strace $0x9FFFFFFF  }
0xc3: {  	(tm) =	ssettm $0x7FFFFFFF  }
tec
execute0_lowered:
.L_overlay_start_1:
0x0: {  	(tag) =	ssettag $0x1  }
0x1: {  	s5 =	rddreg [dreg:$0x0]  }
0x2: {  	s2 =	rddreg [dreg:$0x1];
	s0 =	stileid.u32  }
0x3: {  	s1 =	srdreg.scid;
	s3 =	rddreg [dreg:$0x2];
	s4 =	simm.s32 $0x0  }
0x4: {  	s13 =	simm.s32 $0x80;
	s14 =	simm.s32 $0x5000;
	s6 =	smul.u32 $0x500, s0  }
0x5: {  	s7 =	sand.u32 $0x1, s1;
	s1 =	rddreg [dreg:$0x3];
	s9 =	smul.u32 $0x50000, s0  }
0x6: {  	s15 =	simm.s32 $0x1;
	[smem:$0x7FF] =	sst s4;
	s17 =	smul.u32 $0x2800, s0  }
0x7: {  	s31 =	sshll.u32 s0, $0x6;
	s8 =	smul.u32 $0x28000, s7;
	s26 =	ssub.s32 $0x2, s7  }
0x8: {  	_ =	strace $0x8000004A;
	s10 =	sadd.s32 s6, s5;
	s28 =	sshrl.u32 s26, $0x1  }
0x9: {  	s29 =	sshrl.u32 s9, $0x2;
	s11 =	sadd.s32 s8, s5;
	s30 =	ssub.s32 s26, s28  }
0xa: {  	s12 =	sadd.s32 s29, s3;
	s5 =	sor.u32 $0x1C02, s31;
	s6 =	sadd.s32 $0x57A00, s10  }
0xb: {  	s7 =	sadd.s32 $0x2200, s10;
	s8 =	sadd.s32 $0x5CA00, s11;
	s16 =	sadd.s32 $0xACA00, s11  }
0xc: {  	s9 =	smax.u32 s30, $0x1;
	s10 =	sshrl.u32 s12, $0x3;
	s11 =	simm.s32 $0x2  }
0xd: {  	s12 =	simm.s32 $0x2800;
	s16 =	sadd.s32 s17, s16;
	s17 =	simm.s32 $0x0  }
.LBB2_1:
0xe: {  	[spmem:s10], [sflag:s5] =	dma.local [hbm:s2], $0x2800  }
0xf: {  	_ =	swait.ge [sflag:s11], $0x2800  }
0x10: {  	[sflag:s11] =	ssyncset.done $0x0  }
0x11: {  	[sflag:s11] =	ssyncadd.s32 $0xFFFFD800  }
0x12: {  	[tilespmem:s4], [sflag:$0x2] =	stream.linear.gather [hbm4b:s6+s4], $0x2800, $0x38;
	[tilespmem:$0x1D000] =	vst v63  }
0x13: {  	_ =	swait.ge [sflag:s11], $0x2800  }
0x14: {  	[sflag:s11] =	ssyncset.done $0x0  }
0x15: {  	[sflag:s11] =	ssyncadd.s32 $0xFFFFD800  }
0x16: {  	[tilespmem:s12], [sflag:$0x2] =	stream.linear.gather [hbm4b:s7+s4], $0x2800, $0x38;
	[tilespmem:$0x1D000] =	vst v63  }
0x17: {  	_ =	swait.ge [sflag:s11], $0x2800  }
0x18: {  	[sflag:s11] =	ssyncset.done $0x0  }
0x19: {  	[sflag:s11] =	ssyncadd.s32 $0xFFFFD800  }
0x1a: {  	s18 =	simm.s32 $0x0;
	[bflag:$0x0] =	sbarrier.arrive $0xFFFF  }
0x1b: {  	[tilespmem:s14], [sflag:$0x1] =	stream.indirect.gather [hbm4b:s8+s13], $0x80, s18, s13, $0xb8;
	[tilespmem:$0x1D000] =	vst v63  }
0x1c: {  	_ =	swait.ge [sflag:s15], $0x4000  }
0x1d: {  	[sflag:s15] =	ssyncset.done $0x0  }
0x1e: {  	s31 =	simm.s32 $0x2800;
	[sflag:s15] =	ssyncadd.s32 $0xFFFFC000  }
0x1f: {  	[spmem:s3] =	stream.indirect.scatter.add.f32 [tilespmem:s14], [sflag:$0x2], $0x80, s31, s13, $0xb8;
	[tilespmem:$0x1D000] =	vst v63  }
0x20: {  	_ =	swait.ge [sflag:s11], $0x4000  }
0x21: {  	s19 =	simm.s32 $0x400;
	s18 =	simm.s32 $0x200;
	[sflag:s11] =	ssyncset.done $0x0  }
.LBB2_2:
0x22: {  	s20 =	sshra.s32 s18, $0x2  }
0x23: {  	[sflag:s11] =	ssyncadd.s32 $0xFFFFC000;
	s18 =	smov.u32 s19;
	s21 =	sadd.s32 $0x200, s19  }
0x24: {  	[tilespmem:s14], [sflag:$0x1] =	stream.indirect.gather [hbm4b:s8+s13], $0x80, s20, s13, $0xb8;
	[tilespmem:$0x1D000] =	vst v63  }
0x25: {  	p0 =	sne.s32 s19, $0x9E00;
	_ =	swait.ge [sflag:s15], $0x4000  }
.Ltmp0:
0x26: {  	[sflag:s15] =	ssyncset.done $0x0;
	(pc) =	sbr.rel @p0 .LBB2_2-.Ltmp0, $4  }
0x27: {  	s19 =	sadd.s32 $0x2800, s20;
	[sflag:s15] =	ssyncadd.s32 $0xFFFFC000  }
0x28: {  	[spmem:s3] =	stream.indirect.scatter.add.f32 [tilespmem:s14], [sflag:$0x2], $0x80, s19, s13, $0xb8;
	[tilespmem:$0x1D000] =	vst v63  }
0x29: {  	_ =	swait.ge [sflag:s11], $0x4000  }
0x2a: {  	s19 =	smov.u32 s21;
	[sflag:s11] =	ssyncset.done $0x0  }
0x2b: {  	s18 =	sshra.s32 s18, $0x2;
	[sflag:s11] =	ssyncadd.s32 $0xFFFFC000  }
0x2c: {  	[tilespmem:s14], [sflag:$0x1] =	stream.indirect.gather [hbm4b:s8+s13], $0x80, s18, s13, $0xb8;
	[tilespmem:$0x1D000] =	vst v63  }
0x2d: {  	_ =	swait.ge [sflag:s15], $0x4000  }
0x2e: {  	[sflag:s15] =	ssyncset.done $0x0  }
0x2f: {  	s18 =	sadd.s32 $0x2800, s18;
	[sflag:s15] =	ssyncadd.s32 $0xFFFFC000  }
0x30: {  	[spmem:s3] =	stream.indirect.scatter.add.f32 [tilespmem:s14], [sflag:$0x2], $0x80, s18, s13, $0xb8;
	[tilespmem:$0x1D000] =	vst v63  }
0x31: {  	_ =	swait.ge [sflag:s11], $0x4000  }
0x32: {  	s17 =	sadd.s32 $0x1, s17;
	[sflag:s11] =	ssyncset.done $0x0  }
0x33: {  	p0 =	sne.s32 s17, s9;
	[sflag:s11] =	ssyncadd.s32 $0xFFFFC000  }
.Ltmp1:
0x34: {  	[bflag:$0x0] =	sbarrier.arrive $0xFFFF;
	(pc) =	sbr.rel @p0 .LBB2_1-.Ltmp1, $4  }
0x35: {  	[hbm:s16], [sflag:s5] =	dma.local [spmem:s10], $0x2800  }
0x36: {  	_ =	swait.ge [sflag:s11], $0x2800  }
0x37: {  	[sflag:s11] =	ssyncset.done $0x0  }
0x38: {  	[sflag:s11] =	ssyncadd.s32 $0xFFFFD800  }
0x39: {  	_ =	sfence.sel $0x180000  }
0x3a: {  	[bflag:$0x0] =	sbarrier.arrive $0xFFFF  }
0x3b: {  	p0 =	sne.s32 s0, $0x0;
	_ =	strace $0x9000004A  }
0x3c: {  	s0 =	sadd.s32 @!p0 $0x100000, s1;
	[bflag:$0x2] =	sbarrier.arrive $0xFFFF  }
0x3d: {  	[sflag:s0] =	ssyncadd.tile.s32 @!p0 $0x1;
	_ =	shalt  }
.Lfunc_end2:
_tile_overlayer_lowered:
.L_overlay_start_2:
0x3e: {  	(tag) =	ssettag $0x2  }
0x3f: {  	s0 =	rddreg [dreg:$0x0];
	s2 =	stileid.u32  }
0x40: {  	s1 =	rddreg [dreg:$0x1];
	p0 =	sne.s32 s2, $0x0  }
0x41: {  	s3 =	rddreg [dreg:$0x2];
	[bflag:$0x3] =	sbarrier.arrive $0xFFFF;
	s2 =	simm.s32 @!p0 $0x1C02  }
0x42: {  	[timem:s3], [sflag:s2] =	dma.local @!p0 [hbm:s0], s1  }
0x43: {  	s0 =	simm.s32 @!p0 $0x2  }
0x44: {  	_ =	swait.ge @!p0 [sflag:s0], s1  }
0x45: {  	s1 =	ssub.s32 @!p0 $0x0, s1;
	[sflag:s0] =	ssyncset.done @!p0 $0x0  }
0x46: {  	[sflag:s0] =	ssyncadd.s32 @!p0 s1  }
0x47: {  	[bflag:$0x3] =	sbarrier.arrive $0xFFFF  }
0x48: {  	_ =	shalt  }

// kernel: kernel.16.cloned.1.call-start
scs
__scs_entry_jumppad:
0x0: {  	(pc) =	sbr.rel $0x88, $3  }
0x1: {  	(tag) =	ssettag $0x0;
	lr =	simm.s32 $0x1  }
0x2: {  	[smem:$0x3F96] =	sst lr;
	_ =	strace $0xD0000000  }
0x3: {  	_ = 	snop  }
0x4: {  	_ = 	snop  }
0x5: {  	_ = 	snop  }
0x6: {  	_ = 	snop  }
0x7: {  	_ = 	snop  }
__scs_overlays_trampoline_lowered:
0x8: {  	[smem:$0x3FA5] =	sst s0  }
0x9: {  	[smem:$0x3FA6] =	sst s1  }
0xa: {  	[smem:$0x3FA7] =	sst s2  }
0xb: {  	[smem:$0x3FA8] =	sst s3  }
0xc: {  	[smem:$0x3FA9] =	sst s4  }
0xd: {  	[smem:$0x3FAA] =	sst s5  }
0xe: {  	[smem:$0x3FAB] =	sst s6  }
0xf: {  	[smem:$0x3FAC] =	sst s7  }
0x10: {  	[smem:$0x3FAD] =	sst s8  }
0x11: {  	[smem:$0x3FAE] =	sst s9;
	s0 =	simm.s32 @!p0 $0x0  }
0x12: {  	s1 =	sld [smem:$0x3F94];
	s0 =	simm.s32 @p0 $0x1  }
0x13: {  	[smem:$0x3FAF] =	sst s0;
	s0 =	simm.s32 @!p1 $0x0  }
0x14: {  	s2 =	sld [smem:$0x3F93];
	s0 =	simm.s32 @p1 $0x1  }
0x15: {  	[smem:$0x3FB0] =	sst s0;
	s0 =	simm.s32 @!p2 $0x0  }
0x16: {  	s3 =	sld [smem:$0x3FDB];
	s0 =	simm.s32 @p2 $0x1  }
0x17: {  	s4 =	simm.s32 $0x1BF5;
	[smem:$0x3FB2] =	sst s0  }
0x18: {  	s0 =	sld [smem:$0x3F95];
	_ =	swait.ge [sflag:s4], $0x0  }
0x19: {  	s7 =	sld [smem:$0x3F96]  }
0x1a: {  	s8 =	sadd.s32 $0xFFFFE003, lr  }
0x1b: {  	s9 =	sadd.s32 $0xFFFFFEF7, lr;
	s5 =	simm.s32 $0xFFFFFFFF;
	p2 =	slt.u32 s8, $0xFFFFF086  }
0x1c: {  	p1 =	slt.u32 s9, $0xF7A;
	s5 =	simm.s32 @!p2 $0x0  }
0x1d: {  	s5 =	simm.s32 @p1 $0x1;
	p0 =	seq.s32 s7, s2  }
0x1e: {  	s7 =	smul.u32 @!p0 $0xF7A, s2;
	p2 =	seq.s32 @!p0 s5, $0x0  }
0x1f: {  	s9 =	smul.u32 $0xF7A, s1;
	s8 =	simm.s32 @!p0 $0x1BF5;
	p2 =	por !p2, p0  }
0x20: {  	[sflag:s8] =	ssyncset.s32 @!p0 $0xFFFFF086;
	s6 =	sadd.s32 @!p0 s3, s7;
	s7 =	simm.s32 @!p0 $0x108  }
0x21: {  	s3 =	sadd.s32 s3, s9;
	s6 =	sadd.s32 @!p0 $0x88, s6;
	s7 =	simm.s32 @p2 $0x1082  }
0x22: {  	[simem:s7], [sflag:s8] =	dma.local @!p0 [hbm:s6], $0xF7A  }
0x23: {  	s9 =	sor.u32 $0xD0000000, s2;
	s6 =	simm.s32 $0x108;
	_ =	swait.ge @!p0 [sflag:s8], $0x0  }
0x24: {  	s3 =	sadd.s32 $0x88, s3;
	s6 =	simm.s32 @!p1 $0x1082;
	[sflag:s4] =	ssyncset.s32 $0xFFFFF086  }
0x25: {  	[simem:s6], [sflag:s4] =	dma.local [hbm:s3], $0xF7A  }
0x26: {  	[smem:$0x3F96] =	sst s1;
	(tag) =	ssettag s2;
	_ =	strace s9  }
0x27: {  	s1 =	sld [smem:$0x3FA6]  }
0x28: {  	s2 =	sld [smem:$0x3FA7]  }
0x29: {  	s4 =	sld [smem:$0x3FA9]  }
0x2a: {  	p0 =	seq.s32 s5, $0x0;
	s5 =	sld [smem:$0x3FAA]  }
0x2b: {  	s6 =	sld [smem:$0x3FAB]  }
0x2c: {  	s7 =	sld [smem:$0x3FAC]  }
0x2d: {  	s3 =	simm.s32 $0x108;
	s8 =	sld [smem:$0x3FAD]  }
0x2e: {  	s3 =	simm.s32 @!p0 $0x1082;
	s9 =	sld [smem:$0x3FAE]  }
0x2f: {  	lr =	sadd.s32 s0, s3;
	s0 =	sld [smem:$0x3FA5]  }
0x30: {  	s3 =	sld [smem:$0x3FA8]  }
0x31: {  	[smem:$0x3FB1] =	sst s10  }
0x32: {  	s10 =	sld [smem:$0x3FAF];
	_ =	sdelay $0x3  }
0x33: {  	p0 =	seq.s32 s10, $0x1;
	s10 =	sld [smem:$0x3FB1];
	_ =	sdelay $0x3  }
0x34: {  	[smem:$0x3FB1] =	sst s10  }
0x35: {  	s10 =	sld [smem:$0x3FB0];
	_ =	sdelay $0x3  }
0x36: {  	p1 =	seq.s32 s10, $0x1;
	s10 =	sld [smem:$0x3FB1];
	_ =	sdelay $0x3  }
0x37: {  	[smem:$0x3FB1] =	sst s10  }
0x38: {  	s10 =	sld [smem:$0x3FB2]  }
0x39: {  	_ = 	snop;
	(pc) =	sbr.ind lr, $3  }
0x3a: {  	_ = 	snop  }
0x3b: {  	_ = 	snop  }
0x3c: {  	p2 =	seq.s32 s10, $0x1;
	s10 =	sld [smem:$0x3FB1]  }
0x3d: {  	_ =	shalt  }
0x3e: {  	_ =	shalt  }
0x3f: {  	_ =	shalt  }
0x40: {  	_ =	shalt  }
0x41: {  	_ =	shalt  }
0x42: {  	_ =	shalt  }
0x43: {  	_ =	shalt  }
0x44: {  	_ =	shalt  }
0x45: {  	_ =	shalt  }
0x46: {  	_ =	shalt  }
0x47: {  	_ =	shalt  }
0x48: {  	_ =	shalt  }
0x49: {  	_ =	shalt  }
0x4a: {  	_ =	shalt  }
0x4b: {  	_ =	shalt  }
0x4c: {  	_ =	shalt  }
0x4d: {  	_ =	shalt  }
0x4e: {  	_ =	shalt  }
0x4f: {  	_ =	shalt  }
0x50: {  	_ =	shalt  }
0x51: {  	_ =	shalt  }
0x52: {  	_ =	shalt  }
0x53: {  	_ =	shalt  }
0x54: {  	_ =	shalt  }
0x55: {  	_ =	shalt  }
0x56: {  	_ =	shalt  }
0x57: {  	_ =	shalt  }
0x58: {  	_ =	shalt  }
0x59: {  	_ =	shalt  }
0x5a: {  	_ =	shalt  }
0x5b: {  	_ =	shalt  }
0x5c: {  	_ =	shalt  }
0x5d: {  	_ =	shalt  }
0x5e: {  	_ =	shalt  }
0x5f: {  	_ =	shalt  }
0x60: {  	_ =	shalt  }
0x61: {  	_ =	shalt  }
0x62: {  	_ =	shalt  }
0x63: {  	_ =	shalt  }
0x64: {  	_ =	shalt  }
0x65: {  	_ =	shalt  }
0x66: {  	_ =	shalt  }
0x67: {  	_ =	shalt  }
0x68: {  	_ =	shalt  }
0x69: {  	_ =	shalt  }
0x6a: {  	_ =	shalt  }
0x6b: {  	_ =	shalt  }
0x6c: {  	_ =	shalt  }
0x6d: {  	_ =	shalt  }
0x6e: {  	_ =	shalt  }
0x6f: {  	_ =	shalt  }
0x70: {  	_ =	shalt  }
0x71: {  	_ =	shalt  }
0x72: {  	_ =	shalt  }
0x73: {  	_ =	shalt  }
0x74: {  	_ =	shalt  }
0x75: {  	_ =	shalt  }
0x76: {  	_ =	shalt  }
0x77: {  	_ =	shalt  }
0x78: {  	_ =	shalt  }
0x79: {  	_ =	shalt  }
0x7a: {  	_ =	shalt  }
0x7b: {  	_ =	shalt  }
0x7c: {  	_ =	shalt  }
0x7d: {  	_ =	shalt  }
0x7e: {  	_ =	shalt  }
0x7f: {  	_ =	shalt  }
0x80: {  	_ =	shalt  }
0x81: {  	_ =	shalt  }
0x82: {  	_ =	shalt  }
0x83: {  	_ =	shalt  }
0x84: {  	_ =	shalt  }
0x85: {  	_ =	shalt  }
0x86: {  	_ =	shalt  }
0x87: {  	_ =	shalt  }
.Lfunc_end0:
.L_simem_size_0:
called_computation.2_lowered:
.L_overlay_start_0:
0x88: {  	s2 =	sld [smem:$0x3FD9]  }
0x89: {  	s3 =	sld [smem:$0x3FFE];
	_ =	sdelay $0x1  }
0x8a: {  	s1 =	srdreg.scid  }
0x8b: {  	s0 =	sand.u32 $0x1, s1  }
0x8c: {  	s17 =	sshll.u32 s0, $0xA;
	s2 =	sadd.s32 s3, s2  }
0x8d: {  	s2 =	sadd.s32 s2, s17  }
0x8e: {  	[smem:$0x3FBD] =	sst s2  }
0x8f: {  	_ = 	snop  }
0x90: {  	(tm) =	ssettm $0x1  }
0x91: {  	s18 =	sld [smem:$0x3FFB];
	_ =	sdelay $0x3  }
0x92: {  	_ =	strace s18  }
0x93: {  	s2 =	sld [smem:$0x3FFC];
	_ =	sdelay $0x3  }
0x94: {  	_ =	strace s2  }
0x95: {  	s2 =	sld [smem:$0x3FFD];
	_ =	sdelay $0x3  }
0x96: {  	_ =	strace s2  }
0x97: {  	_ =	strace $0x8FFFFFFF  }
0x98: {  	s19 =	sld [smem:$0x3FDB];
	_ =	sdelay $0x1  }
0x99: {  	s20 =	simm.s32 $_scs_section_size  }
0x9a: {  	s4 =	simm.s32 $_size__tile_overlayer_lowered;
	s5 =	simm.s32 $_tile_overlayer_lowered  }
0x9b: {  	s6 =	simm.s32 $0x1BFF;
	s21 =	sshll.u32 s5, $0x1;
	s3 =	sadd.s32 s20, s19  }
0x9c: {  	s22 =	simm.s32 $0x0;
	s4 =	sshll.u32 s4, $0x1;
	s5 =	sadd.s32 s21, s3  }
0x9d: {  	[timem:s22], [sflag:s6] =	dma.local [hbm:s5], s4  }
0x9e: {  	_ =	swait.ge [sflag:s6], s4  }
0x9f: {  	s4 =	ssub.s32 $0x0, s4;
	[sflag:s6] =	ssyncset.done $0x0  }
0xa0: {  	[sflag:s6] =	ssyncadd.s32 s4;
	_ =	sdelay $0x1  }
0xa1: {  	s23 =	simm.s32 $0x1B8B  }
0xa2: {  	_ =	swait.ge [sflag:s23], $0x1  }
0xa3: {  	[sflag:s23] =	ssyncset.done $0x0  }
0xa4: {  	[sflag:s23] =	ssyncadd.s32 $0xFFFFFFFF  }
0xa5: {  	s4 =	sld [smem:$0x0]  }
0xa6: {  	s5 =	sand.u32 $0xFFFFFFFE, s1  }
0xa7: {  	p0 =	sne.s32 s1, s5  }
0xa8: {  	s5 =	sshll.u32 @p0 s5, $0xE  }
0xa9: {  	s5 =	sadd.s32 @p0 $0x11B8D, s5;
	s6 =	sshll.u32 @p0 s4, $0x11  }
0xaa: {  	s5 =	sor.u32 @p0 s6, s5  }
0xab: {  	[sflag:s5] =	ssyncadd.remote.s32 @p0 $0x1;
	_ =	sdelay $0x1  }
0xac: {  	s5 =	simm.s32 @p0 $0x1B8D  }
0xad: {  	_ =	swait.eq @p0 [sflag:s5], $0x1  }
0xae: {  	[sflag:s5] =	ssyncadd.s32 @p0 $0xFFFFFFFF  }
0xaf: {  	s6 =	sshll.u32 @!p0 s1, $0xE  }
0xb0: {  	s6 =	sor.u32 @!p0 $0x4000, s6;
	s5 =	simm.s32 @!p0 $0x1B8D  }
0xb1: {  	s4 =	sshll.u32 @!p0 s4, $0x11;
	s6 =	sadd.s32 @!p0 $0x11B8D, s6;
	_ =	swait.eq @!p0 [sflag:s5], $0x1  }
0xb2: {  	s4 =	sor.u32 @!p0 s4, s6;
	[sflag:s5] =	ssyncadd.s32 @!p0 $0xFFFFFFFF  }
0xb3: {  	s25 =	simm.s32 $0x1B8E;
	s24 =	sld [smem:$0x3FFE];
	[sflag:s4] =	ssyncadd.remote.s32 @!p0 $0x1  }
0xb4: {  	s26 =	simm.s32 $execute0_lowered;
	[smem:$0x3FD2] =	sst s25  }
0xb5: {  	s5 =	sshll.u32 s26, $0x1;
	_ =	strace $0x8000004F;
	[dreg:$0x1] =	wrdreg $0xFFFFFFFF  }
0xb6: {  	s28 =	simm.s32 $_size_execute0_lowered;
	s3 =	sadd.s32 s3, s5;
	[dreg:$0x0] =	wrdreg $0x0  }
0xb7: {  	s5 =	sshll.u32 s28, $0x1;
	[dreg:$0x2] =	wrdreg s3  }
0xb8: {  	[dreg:$0x3] =	wrdreg s5  }
0xb9: {  	[dreg:$0x4] =	wrdreg $0xC0  }
0xba: {  	_ =	task [dreg:s22], $0x5FFFF  }
0xbb: {  	[dreg:$0x1] =	wrdreg $0xFFFFFFFF  }
0xbc: {  	[dreg:$0x0] =	wrdreg $0x60  }
0xbd: {  	[dreg:$0x2] =	wrdreg s24  }
0xbe: {  	[dreg:$0x3] =	wrdreg $0x9  }
0xbf: {  	_ =	task.clear_ibuf [dreg:s22], $0x4FFFF;
	_ =	strace $0x9000004F  }
0xc0: {  	s29 =	simm.s32 $0x9;
	_ =	strace $0x80000051  }
0xc1: {  	_ =	swait.ge [sflag:s29], $0x1  }
0xc2: {  	[sflag:s29] =	ssyncadd.s32 $0xFFFFFFFF  }
0xc3: {  	_ =	strace $0x90000051  }
0xc4: {  	_ =	sfence  }
0xc5: {  	s30 =	sld [smem:$0x0];
	_ =	sdelay $0x2  }
0xc6: {  	s31 =	sshll.u32 s1, $0xD;
	s1 =	sshrl.u32 s1, $0x2  }
0xc7: {  	s4 =	sand.u32 $0x4000, s31;
	s1 =	sadd.s32 s1, s30  }
0xc8: {  	s0 =	sor.u32 s4, s0;
	s1 =	sshll.u32 s1, $0x11  }
0xc9: {  	s0 =	sor.u32 s1, s0  }
0xca: {  	s0 =	sadd.s32 $0x8F2B, s0  }
0xcb: {  	[sflag:s0] =	ssyncadd.remote.s32 $0x1  }
0xcc: {  	_ =	sfence.sel $0xFFFF  }
0xcd: {  	[dreg:$0x0] =	wrdreg $0xFFFFFFFF;
	(pc) =	sbr.abs _section_cstart, $3  }
0xce: {  	[dreg:$0x1] =	wrdreg $0xFFFFFFFF  }
0xcf: {  	_ =	task.clear_ibuf [dreg:s22], $0x2FFFF;
	_ =	strace $0x9FFFFFFF  }
0xd0: {  	(tm) =	ssettm $0x7FFFFFFF  }
0xd1: {  	_ =	shalt  }
tec
execute0_lowered:
.L_overlay_start_1:
0x0: {  	(tag) =	ssettag $0x1  }
0x1: {  	s0 =	rddreg [dreg:$0x0];
	s2 =	simm.s32 $0x0  }
0x2: {  	s1 =	srdreg.scid;
	[smem:$0x7FF] =	sst s2;
	s6 =	sadd.s32 $0x381A00, s0  }
0x3: {  	s7 =	sadd.s32 $0x4C1A00, s0;
	_ =	strace $0x80000050;
	[dreg:$0x2] =	wrdreg s6  }
0x4: {  	s8 =	stileid.u32;
	s9 =	simm.s32 $0x1200;
	[dreg:$0x3] =	wrdreg s7  }
0x5: {  	s11 =	simm.s32 $0x1A00;
	s12 =	simm.s32 $0x2200;
	[dreg:$0x4] =	wrdreg s9  }
0x6: {  	s13 =	simm.s32 $0x2A00;
	s15 =	simm.s32 $0x3200;
	[dreg:$0x5] =	wrdreg s11  }
0x7: {  	s16 =	simm.s32 $0x3A00;
	s18 =	simm.s32 $0x4200;
	[dreg:$0x6] =	wrdreg s12  }
0x8: {  	s19 =	simm.s32 $0x4A00;
	s21 =	simm.s32 $0x5200;
	[dreg:$0x7] =	wrdreg s13  }
0x9: {  	s22 =	simm.s32 $0x5A00;
	s23 =	simm.s32 $0x6200;
	[dreg:$0x8] =	wrdreg s15  }
0xa: {  	s24 =	simm.s32 $0x6A00;
	s25 =	simm.s32 $0x7200;
	[dreg:$0x9] =	wrdreg s16  }
0xb: {  	s26 =	simm.s32 $0x7A00;
	s28 =	simm.s32 $0xFA00;
	[dreg:$0xa] =	wrdreg s18  }
0xc: {  	s29 =	simm.s32 $0x10200;
	s30 =	simm.s32 $0x1;
	[dreg:$0xb] =	wrdreg s19  }
0xd: {  	s31 =	simm.s32 $0x2;
	s1 =	sand.u32 $0x1, s1;
	[dreg:$0xc] =	wrdreg s21  }
0xe: {  	s3 =	sshll.u32 s8, $0x1;
	s17 =	smul.u32 $0xA0000, s8;
	[dreg:$0xd] =	wrdreg s22  }
0xf: {  	s4 =	sor.u32 s1, s3;
	s3 =	sadd.s32 $0x2200, s0;
	[dreg:$0xe] =	wrdreg s23  }
0x10: {  	s10 =	ssub.s32 $0x2, s1;
	s1 =	smul.u32 $0x50000, s1;
	[dreg:$0xf] =	wrdreg s24  }
0x11: {  	s9 =	simm.s32 $0x3;
	s11 =	simm.s32 $0xA00;
	[dreg:$0x10] =	wrdreg s25  }
0x12: {  	[dreg:$0x11] =	wrdreg s26;
	s12 =	simm.s32 $0x8200;
	s13 =	simm.s32 $0x8A00  }
0x13: {  	s15 =	simm.s32 $0x9A00;
	s16 =	simm.s32 $0xA200;
	s18 =	simm.s32 $0xB200  }
0x14: {  	s19 =	simm.s32 $0xBA00;
	s21 =	simm.s32 $0xCA00;
	s22 =	simm.s32 $0xD200  }
0x15: {  	s23 =	simm.s32 $0xDA00;
	s24 =	simm.s32 $0xE200;
	s25 =	simm.s32 $0xEA00  }
0x16: {  	s26 =	simm.s32 $0xF200;
	s5 =	smul.u32 $0xA0, s4;
	s7 =	sshrl.u32 s10, $0x1  }
0x17: {  	s4 =	sadd.s32 $0x50400, s0;
	s7 =	ssub.s32 s10, s7;
	s1 =	sadd.s32 s1, s17  }
0x18: {  	s17 =	simm.s32 $0xAA00;
	s0 =	sadd.s32 s5, s0;
	s20 =	smax.u32 s7, $0x1  }
0x19: {  	v2 =	vlaneseq.u32;
	s10 =	sshrl.u32 s1, $0x3;
	s14 =	sadd.s32 $0x100600, s0;
	[dreg:$0x14] =	wrdreg s20  }
0x1a: {  	vm0 =	vmmov $0xffff;
	v1 =	vshrl.u32 v2, $0x3;
	s0 =	sadd.s32 $0xFF200, s0;
	s20 =	simm.s32 $0xC200;
	[dreg:$0x12] =	wrdreg s14  }
0x1b: {  	v0 =	vand.u32 $0x7, v2;
	v2 =	vor.u32 $0x8, v2;
	v1 =	vmul.u32 $0x8, v1;
	[dreg:$0x13] =	wrdreg s0;
	s14 =	simm.s32 $0x9200;
	s0 =	simm.s32 $0x0  }
.LBB2_1:
0x1c: {  	s1 =	rddreg [dreg:$0x12]  }
0x1d: {  	[tilespmem:s2], [sflag:$0x3] =	stream.linear.gather [hbm4b:s1+s2], $0x500, $0x38;
	[tilespmem:$0x10A00] =	vst v63  }
0x1e: {  	_ =	swait.ge [sflag:s9], $0x500  }
0x1f: {  	[sflag:s9] =	ssyncset.done $0x0  }
0x20: {  	s5 =	simm.s32 $0x500;
	s8 =	rddreg [dreg:$0x13];
	[sflag:s9] =	ssyncadd.s32 $0xFFFFFB00  }
0x21: {  	[tilespmem:s5], [sflag:$0x3] =	stream.linear.gather [hbm4b:s8+s2], $0x500, $0x38;
	[tilespmem:$0x10A00] =	vst v63  }
0x22: {  	_ =	swait.ge [sflag:s9], $0x500  }
0x23: {  	[sflag:s9] =	ssyncset.done $0x0  }
0x24: {  	s1 =	simm.s32 $0x0;
	s8 =	smov.u32 s10;
	[sflag:s9] =	ssyncadd.s32 $0xFFFFFB00  }
.LBB2_2:
0x25: {  	s5 =	sshra.s32 s1, $0x2  }
0x26: {  	v3 =	vld [tilespmem:s5+$0x0];
	_ =	sdelay $0x4  }
0x27: {  	v4 =	vshll.u32 v3, $0x1  }
0x28: {  	v3 =	vand.u32 $0x7, v3;
	v4 =	vand.u32 $0xFFFFFFF0, v4  }
0x29: {  	v3 =	vor.u32 v3, v4  }
0x2a: {  	v4 =	vperm.xlane v3, v0;
	_ =	sdelay $0x1  }
0x2b: {  	v3 =	vperm.xlane v3, v2;
	v4 =	vadd.s32 v1, v4;
	_ =	sdelay $0x1  }
0x2c: {  	v3 =	vadd.s32 v1, v3;
	_ =	sdelay $0x2  }
0x2d: {  	[tilespmem:s11], [sflag:$0x1] =	stream.indirect_vreg.gather [hbm4b:s3+s2], $0x80, v4, vm0, $0xb8;
	[tilespmem:$0x10A00] =	vst v63  }
0x2e: {  	s6 =	rddreg [dreg:$0x4]  }
0x2f: {  	[tilespmem:s6], [sflag:$0x1] =	stream.indirect_vreg.gather [hbm4b:s3+s2], $0x80, v3, vm0, $0xb8;
	[tilespmem:$0x10A00] =	vst v63  }
0x30: {  	v3 =	vld [tilespmem:s5+$0x10];
	_ =	sdelay $0x4  }
0x31: {  	v49 =	vshll.u32 v3, $0x1  }
0x32: {  	v3 =	vand.u32 $0x7, v3;
	v4 =	vand.u32 $0xFFFFFFF0, v49  }
0x33: {  	v3 =	vor.u32 v3, v4  }
0x34: {  	v4 =	vperm.xlane v3, v0;
	_ =	sdelay $0x1  }
0x35: {  	v3 =	vperm.xlane v3, v2;
	v4 =	vadd.s32 v1, v4;
	_ =	sdelay $0x1  }
0x36: {  	v3 =	vadd.s32 v1, v3;
	_ =	sdelay $0x1  }
0x37: {  	s6 =	rddreg [dreg:$0x5]  }
0x38: {  	[tilespmem:s6], [sflag:$0x1] =	stream.indirect_vreg.gather [hbm4b:s3+s2], $0x80, v4, vm0, $0xb8;
	[tilespmem:$0x10A00] =	vst v63  }
0x39: {  	s7 =	rddreg [dreg:$0x6]  }
0x3a: {  	[tilespmem:s7], [sflag:$0x1] =	stream.indirect_vreg.gather [hbm4b:s3+s2], $0x80, v3, vm0, $0xb8;
	[tilespmem:$0x10A00] =	vst v63  }
0x3b: {  	v3 =	vld [tilespmem:s5+$0x20];
	_ =	sdelay $0x4  }
0x3c: {  	v50 =	vshll.u32 v3, $0x1  }
0x3d: {  	v3 =	vand.u32 $0x7, v3;
	v4 =	vand.u32 $0xFFFFFFF0, v50  }
0x3e: {  	v3 =	vor.u32 v3, v4  }
0x3f: {  	v4 =	vperm.xlane v3, v0;
	_ =	sdelay $0x1  }
0x40: {  	v3 =	vperm.xlane v3, v2;
	v4 =	vadd.s32 v1, v4;
	_ =	sdelay $0x1  }
0x41: {  	v3 =	vadd.s32 v1, v3;
	_ =	sdelay $0x1  }
0x42: {  	s6 =	rddreg [dreg:$0x7]  }
0x43: {  	[tilespmem:s6], [sflag:$0x1] =	stream.indirect_vreg.gather [hbm4b:s3+s2], $0x80, v4, vm0, $0xb8;
	[tilespmem:$0x10A00] =	vst v63  }
0x44: {  	s7 =	rddreg [dreg:$0x8]  }
0x45: {  	[tilespmem:s7], [sflag:$0x1] =	stream.indirect_vreg.gather [hbm4b:s3+s2], $0x80, v3, vm0, $0xb8;
	[tilespmem:$0x10A00] =	vst v63  }
0x46: {  	v3 =	vld [tilespmem:s5+$0x30];
	_ =	sdelay $0x4  }
0x47: {  	v51 =	vshll.u32 v3, $0x1  }
0x48: {  	v3 =	vand.u32 $0x7, v3;
	v4 =	vand.u32 $0xFFFFFFF0, v51  }
0x49: {  	v3 =	vor.u32 v3, v4  }
0x4a: {  	v4 =	vperm.xlane v3, v0;
	_ =	sdelay $0x1  }
0x4b: {  	v3 =	vperm.xlane v3, v2;
	v4 =	vadd.s32 v1, v4;
	_ =	sdelay $0x1  }
0x4c: {  	v3 =	vadd.s32 v1, v3;
	_ =	sdelay $0x1  }
0x4d: {  	s6 =	rddreg [dreg:$0x9]  }
0x4e: {  	[tilespmem:s6], [sflag:$0x1] =	stream.indirect_vreg.gather [hbm4b:s3+s2], $0x80, v4, vm0, $0xb8;
	[tilespmem:$0x10A00] =	vst v63  }
0x4f: {  	s7 =	rddreg [dreg:$0xa]  }
0x50: {  	[tilespmem:s7], [sflag:$0x1] =	stream.indirect_vreg.gather [hbm4b:s3+s2], $0x80, v3, vm0, $0xb8;
	[tilespmem:$0x10A00] =	vst v63  }
0x51: {  	v3 =	vld [tilespmem:s5+$0x40];
	_ =	sdelay $0x4  }
0x52: {  	v52 =	vshll.u32 v3, $0x1  }
0x53: {  	v3 =	vand.u32 $0x7, v3;
	v4 =	vand.u32 $0xFFFFFFF0, v52  }
0x54: {  	v3 =	vor.u32 v3, v4  }
0x55: {  	v4 =	vperm.xlane v3, v0;
	_ =	sdelay $0x1  }
0x56: {  	v3 =	vperm.xlane v3, v2;
	v4 =	vadd.s32 v1, v4;
	_ =	sdelay $0x1  }
0x57: {  	v3 =	vadd.s32 v1, v3;
	_ =	sdelay $0x1  }
0x58: {  	s6 =	rddreg [dreg:$0xb]  }
0x59: {  	[tilespmem:s6], [sflag:$0x1] =	stream.indirect_vreg.gather [hbm4b:s3+s2], $0x80, v4, vm0, $0xb8;
	[tilespmem:$0x10A00] =	vst v63  }
0x5a: {  	s7 =	rddreg [dreg:$0xc]  }
0x5b: {  	[tilespmem:s7], [sflag:$0x1] =	stream.indirect_vreg.gather [hbm4b:s3+s2], $0x80, v3, vm0, $0xb8;
	[tilespmem:$0x10A00] =	vst v63  }
0x5c: {  	v3 =	vld [tilespmem:s5+$0x50];
	_ =	sdelay $0x4  }
0x5d: {  	v53 =	vshll.u32 v3, $0x1  }
0x5e: {  	v3 =	vand.u32 $0x7, v3;
	v4 =	vand.u32 $0xFFFFFFF0, v53  }
0x5f: {  	v3 =	vor.u32 v3, v4  }
0x60: {  	v4 =	vperm.xlane v3, v0;
	_ =	sdelay $0x1  }
0x61: {  	v3 =	vperm.xlane v3, v2;
	v4 =	vadd.s32 v1, v4;
	_ =	sdelay $0x1  }
0x62: {  	v3 =	vadd.s32 v1, v3;
	_ =	sdelay $0x1  }
0x63: {  	s6 =	rddreg [dreg:$0xd]  }
0x64: {  	[tilespmem:s6], [sflag:$0x1] =	stream.indirect_vreg.gather [hbm4b:s3+s2], $0x80, v4, vm0, $0xb8;
	[tilespmem:$0x10A00] =	vst v63  }
0x65: {  	s7 =	rddreg [dreg:$0xe]  }
0x66: {  	[tilespmem:s7], [sflag:$0x1] =	stream.indirect_vreg.gather [hbm4b:s3+s2], $0x80, v3, vm0, $0xb8;
	[tilespmem:$0x10A00] =	vst v63  }
0x67: {  	v3 =	vld [tilespmem:s5+$0x60];
	_ =	sdelay $0x4  }
0x68: {  	v54 =	vshll.u32 v3, $0x1  }
0x69: {  	v3 =	vand.u32 $0x7, v3;
	v4 =	vand.u32 $0xFFFFFFF0, v54  }
0x6a: {  	v3 =	vor.u32 v3, v4  }
0x6b: {  	v4 =	vperm.xlane v3, v0;
	_ =	sdelay $0x1  }
0x6c: {  	v3 =	vperm.xlane v3, v2;
	v4 =	vadd.s32 v1, v4;
	_ =	sdelay $0x1  }
0x6d: {  	v3 =	vadd.s32 v1, v3;
	_ =	sdelay $0x1  }
0x6e: {  	s6 =	rddreg [dreg:$0xf]  }
0x6f: {  	[tilespmem:s6], [sflag:$0x1] =	stream.indirect_vreg.gather [hbm4b:s3+s2], $0x80, v4, vm0, $0xb8;
	[tilespmem:$0x10A00] =	vst v63  }
0x70: {  	s7 =	rddreg [dreg:$0x10]  }
0x71: {  	[tilespmem:s7], [sflag:$0x1] =	stream.indirect_vreg.gather [hbm4b:s3+s2], $0x80, v3, vm0, $0xb8;
	[tilespmem:$0x10A00] =	vst v63  }
0x72: {  	v3 =	vld [tilespmem:s5+$0x70];
	_ =	sdelay $0x4  }
0x73: {  	v55 =	vshll.u32 v3, $0x1  }
0x74: {  	v3 =	vand.u32 $0x7, v3;
	v4 =	vand.u32 $0xFFFFFFF0, v55  }
0x75: {  	v3 =	vor.u32 v3, v4  }
0x76: {  	v4 =	vperm.xlane v3, v0;
	_ =	sdelay $0x1  }
0x77: {  	v3 =	vperm.xlane v3, v2;
	v4 =	vadd.s32 v1, v4;
	_ =	sdelay $0x1  }
0x78: {  	v3 =	vadd.s32 v1, v3;
	_ =	sdelay $0x1  }
0x79: {  	s7 =	rddreg [dreg:$0x11]  }
0x7a: {  	[tilespmem:s7], [sflag:$0x1] =	stream.indirect_vreg.gather [hbm4b:s3+s2], $0x80, v4, vm0, $0xb8;
	[tilespmem:$0x10A00] =	vst v63  }
0x7b: {  	_ = 	snop  }
0x7c: {  	[tilespmem:s12], [sflag:$0x1] =	stream.indirect_vreg.gather [hbm4b:s3+s2], $0x80, v3, vm0, $0xb8;
	[tilespmem:$0x10A00] =	vst v63  }
0x7d: {  	v3 =	vld [tilespmem:s5+$0x500];
	_ =	sdelay $0x4  }
0x7e: {  	v56 =	vshll.u32 v3, $0x1  }
0x7f: {  	v3 =	vand.u32 $0x7, v3;
	v4 =	vand.u32 $0xFFFFFFF0, v56  }
0x80: {  	v3 =	vor.u32 v3, v4  }
0x81: {  	v4 =	vperm.xlane v3, v0;
	_ =	sdelay $0x1  }
0x82: {  	v3 =	vperm.xlane v3, v2;
	v4 =	vadd.s32 v1, v4;
	_ =	sdelay $0x1  }
0x83: {  	v3 =	vadd.s32 v1, v3;
	_ =	sdelay $0x2  }
0x84: {  	[tilespmem:s13], [sflag:$0x2] =	stream.indirect_vreg.gather [hbm4b:s4+s2], $0x80, v4, vm0, $0xb8;
	[tilespmem:$0x10A00] =	vst v63  }
0x85: {  	_ = 	snop  }
0x86: {  	[tilespmem:s14], [sflag:$0x2] =	stream.indirect_vreg.gather [hbm4b:s4+s2], $0x80, v3, vm0, $0xb8;
	[tilespmem:$0x10A00] =	vst v63  }
0x87: {  	v3 =	vld [tilespmem:s5+$0x510];
	_ =	sdelay $0x4  }
0x88: {  	v57 =	vshll.u32 v3, $0x1  }
0x89: {  	v3 =	vand.u32 $0x7, v3;
	v4 =	vand.u32 $0xFFFFFFF0, v57  }
0x8a: {  	v3 =	vor.u32 v3, v4  }
0x8b: {  	v4 =	vperm.xlane v3, v0;
	_ =	sdelay $0x1  }
0x8c: {  	v3 =	vperm.xlane v3, v2;
	v4 =	vadd.s32 v1, v4;
	_ =	sdelay $0x1  }
0x8d: {  	v3 =	vadd.s32 v1, v3;
	_ =	sdelay $0x2  }
0x8e: {  	[tilespmem:s15], [sflag:$0x2] =	stream.indirect_vreg.gather [hbm4b:s4+s2], $0x80, v4, vm0, $0xb8;
	[tilespmem:$0x10A00] =	vst v63  }
0x8f: {  	_ = 	snop  }
0x90: {  	[tilespmem:s16], [sflag:$0x2] =	stream.indirect_vreg.gather [hbm4b:s4+s2], $0x80, v3, vm0, $0xb8;
	[tilespmem:$0x10A00] =	vst v63  }
0x91: {  	v3 =	vld [tilespmem:s5+$0x520];
	_ =	sdelay $0x4  }
0x92: {  	v58 =	vshll.u32 v3, $0x1  }
0x93: {  	v3 =	vand.u32 $0x7, v3;
	v4 =	vand.u32 $0xFFFFFFF0, v58  }
0x94: {  	v3 =	vor.u32 v3, v4  }
0x95: {  	v4 =	vperm.xlane v3, v0;
	_ =	sdelay $0x1  }
0x96: {  	v3 =	vperm.xlane v3, v2;
	v4 =	vadd.s32 v1, v4;
	_ =	sdelay $0x1  }
0x97: {  	v3 =	vadd.s32 v1, v3;
	_ =	sdelay $0x2  }
0x98: {  	[tilespmem:s17], [sflag:$0x2] =	stream.indirect_vreg.gather [hbm4b:s4+s2], $0x80, v4, vm0, $0xb8;
	[tilespmem:$0x10A00] =	vst v63  }
0x99: {  	_ = 	snop  }
0x9a: {  	[tilespmem:s18], [sflag:$0x2] =	stream.indirect_vreg.gather [hbm4b:s4+s2], $0x80, v3, vm0, $0xb8;
	[tilespmem:$0x10A00] =	vst v63  }
0x9b: {  	v3 =	vld [tilespmem:s5+$0x530];
	_ =	sdelay $0x4  }
0x9c: {  	v59 =	vshll.u32 v3, $0x1  }
0x9d: {  	v3 =	vand.u32 $0x7, v3;
	v4 =	vand.u32 $0xFFFFFFF0, v59  }
0x9e: {  	v3 =	vor.u32 v3, v4  }
0x9f: {  	v4 =	vperm.xlane v3, v0;
	_ =	sdelay $0x1  }
0xa0: {  	v3 =	vperm.xlane v3, v2;
	v4 =	vadd.s32 v1, v4;
	_ =	sdelay $0x1  }
0xa1: {  	v3 =	vadd.s32 v1, v3;
	_ =	sdelay $0x2  }
0xa2: {  	[tilespmem:s19], [sflag:$0x2] =	stream.indirect_vreg.gather [hbm4b:s4+s2], $0x80, v4, vm0, $0xb8;
	[tilespmem:$0x10A00] =	vst v63  }
0xa3: {  	_ = 	snop  }
0xa4: {  	[tilespmem:s20], [sflag:$0x2] =	stream.indirect_vreg.gather [hbm4b:s4+s2], $0x80, v3, vm0, $0xb8;
	[tilespmem:$0x10A00] =	vst v63  }
0xa5: {  	v3 =	vld [tilespmem:s5+$0x540];
	_ =	sdelay $0x4  }
0xa6: {  	v60 =	vshll.u32 v3, $0x1  }
0xa7: {  	v3 =	vand.u32 $0x7, v3;
	v4 =	vand.u32 $0xFFFFFFF0, v60  }
0xa8: {  	v3 =	vor.u32 v3, v4  }
0xa9: {  	v4 =	vperm.xlane v3, v0;
	_ =	sdelay $0x1  }
0xaa: {  	v3 =	vperm.xlane v3, v2;
	v4 =	vadd.s32 v1, v4;
	_ =	sdelay $0x1  }
0xab: {  	v3 =	vadd.s32 v1, v3;
	_ =	sdelay $0x2  }
0xac: {  	[tilespmem:s21], [sflag:$0x2] =	stream.indirect_vreg.gather [hbm4b:s4+s2], $0x80, v4, vm0, $0xb8;
	[tilespmem:$0x10A00] =	vst v63  }
0xad: {  	_ = 	snop  }
0xae: {  	[tilespmem:s22], [sflag:$0x2] =	stream.indirect_vreg.gather [hbm4b:s4+s2], $0x80, v3, vm0, $0xb8;
	[tilespmem:$0x10A00] =	vst v63  }
0xaf: {  	v3 =	vld [tilespmem:s5+$0x550];
	_ =	sdelay $0x4  }
0xb0: {  	v61 =	vshll.u32 v3, $0x1  }
0xb1: {  	v3 =	vand.u32 $0x7, v3;
	v4 =	vand.u32 $0xFFFFFFF0, v61  }
0xb2: {  	v3 =	vor.u32 v3, v4  }
0xb3: {  	v4 =	vperm.xlane v3, v0;
	_ =	sdelay $0x1  }
0xb4: {  	v3 =	vperm.xlane v3, v2;
	v4 =	vadd.s32 v1, v4;
	_ =	sdelay $0x1  }
0xb5: {  	v3 =	vadd.s32 v1, v3;
	_ =	sdelay $0x2  }
0xb6: {  	[tilespmem:s23], [sflag:$0x2] =	stream.indirect_vreg.gather [hbm4b:s4+s2], $0x80, v4, vm0, $0xb8;
	[tilespmem:$0x10A00] =	vst v63  }
0xb7: {  	_ = 	snop  }
0xb8: {  	[tilespmem:s24], [sflag:$0x2] =	stream.indirect_vreg.gather [hbm4b:s4+s2], $0x80, v3, vm0, $0xb8;
	[tilespmem:$0x10A00] =	vst v63  }
0xb9: {  	v3 =	vld [tilespmem:s5+$0x560];
	_ =	sdelay $0x4  }
0xba: {  	v62 =	vshll.u32 v3, $0x1  }
0xbb: {  	v3 =	vand.u32 $0x7, v3;
	v4 =	vand.u32 $0xFFFFFFF0, v62  }
0xbc: {  	v3 =	vor.u32 v3, v4  }
0xbd: {  	v4 =	vperm.xlane v3, v0;
	_ =	sdelay $0x1  }
0xbe: {  	v3 =	vperm.xlane v3, v2;
	v4 =	vadd.s32 v1, v4;
	_ =	sdelay $0x1  }
0xbf: {  	v3 =	vadd.s32 v1, v3;
	_ =	sdelay $0x2  }
0xc0: {  	[tilespmem:s25], [sflag:$0x2] =	stream.indirect_vreg.gather [hbm4b:s4+s2], $0x80, v4, vm0, $0xb8;
	[tilespmem:$0x10A00] =	vst v63  }
0xc1: {  	_ = 	snop  }
0xc2: {  	[tilespmem:s26], [sflag:$0x2] =	stream.indirect_vreg.gather [hbm4b:s4+s2], $0x80, v3, vm0, $0xb8;
	[tilespmem:$0x10A00] =	vst v63  }
0xc3: {  	v3 =	vld [tilespmem:s5+$0x570];
	_ =	sdelay $0x4  }
0xc4: {  	v63 =	vshll.u32 v3, $0x1  }
0xc5: {  	v3 =	vand.u32 $0x7, v3;
	v4 =	vand.u32 $0xFFFFFFF0, v63  }
0xc6: {  	v3 =	vor.u32 v3, v4  }
0xc7: {  	v4 =	vperm.xlane v3, v0;
	_ =	sdelay $0x1  }
0xc8: {  	v3 =	vperm.xlane v3, v2;
	v4 =	vadd.s32 v1, v4;
	_ =	sdelay $0x1  }
0xc9: {  	v3 =	vadd.s32 v1, v3;
	_ =	sdelay $0x2  }
0xca: {  	[tilespmem:s28], [sflag:$0x2] =	stream.indirect_vreg.gather [hbm4b:s4+s2], $0x80, v4, vm0, $0xb8;
	[tilespmem:$0x10A00] =	vst v63  }
0xcb: {  	_ = 	snop  }
0xcc: {  	[tilespmem:s29], [sflag:$0x2] =	stream.indirect_vreg.gather [hbm4b:s4+s2], $0x80, v3, vm0, $0xb8;
	[tilespmem:$0x10A00] =	vst v63  }
0xcd: {  	_ =	swait.ge [sflag:s30], $0x8000  }
0xce: {  	s6 =	rddreg [dreg:$0x2];
	[sflag:s30] =	ssyncset.done $0x0  }
0xcf: {  	[sflag:s30] =	ssyncadd.s32 $0xFFFF8000;
	s5 =	sadd.s32 s8, s6  }
0xd0: {  	[hbm4b:s5+s2] =	stream.linear.scatter [tilespmem:s11], [sflag:$0x3], $0x8000, $0x38;
	[tilespmem:$0x10A00] =	vst v63  }
0xd1: {  	_ =	swait.ge [sflag:s9], $0x8000  }
0xd2: {  	[sflag:s9] =	ssyncset.done $0x0  }
0xd3: {  	[sflag:s9] =	ssyncadd.s32 $0xFFFF8000  }
0xd4: {  	_ =	swait.ge [sflag:s31], $0x8000  }
0xd5: {  	p0 =	sne.s32 s1, $0x1200;
	s7 =	rddreg [dreg:$0x3];
	[sflag:s31] =	ssyncset.done $0x0  }
.Ltmp0:
0xd6: {  	[sflag:s31] =	ssyncadd.s32 $0xFFFF8000;
	s5 =	sadd.s32 s8, s7;
	(pc) =	sbr.rel @p0 .LBB2_2-.Ltmp0, $4  }
0xd7: {  	[hbm4b:s5+s2] =	stream.linear.scatter [tilespmem:s13], [sflag:$0x3], $0x8000, $0x38;
	[tilespmem:$0x10A00] =	vst v63  }
0xd8: {  	_ =	swait.ge [sflag:s9], $0x8000  }
0xd9: {  	[sflag:s9] =	ssyncset.done $0x0  }
0xda: {  	s1 =	sadd.s32 $0x200, s1;
	s8 =	sadd.s32 $0x1000, s8;
	[sflag:s9] =	ssyncadd.s32 $0xFFFF8000  }
0xdb: {  	s0 =	sadd.s32 $0x1, s0;
	s1 =	rddreg [dreg:$0x14]  }
0xdc: {  	p0 =	sne.s32 s0, s1  }
.Ltmp1:
0xdd: {  	_ = 	snop;
	(pc) =	sbr.rel @p0 .LBB2_1-.Ltmp1, $1  }
0xde: {  	_ =	sdelay $0x3  }
0xdf: {  	_ =	sfence.sel $0x180000  }
0xe0: {  	[bflag:$0x0] =	sbarrier.arrive $0xFFFF  }
0xe1: {  	_ =	strace $0x90000050  }
0xe2: {  	s0 =	stileid.u32;
	[bflag:$0x2] =	sbarrier.arrive $0xFFFF  }
0xe3: {  	p0 =	sne.s32 s0, $0x0;
	s0 =	rddreg [dreg:$0x1]  }
0xe4: {  	s0 =	sadd.s32 @!p0 $0x100000, s0  }
0xe5: {  	[sflag:s0] =	ssyncadd.tile.s32 @!p0 $0x1;
	_ =	shalt  }
.Lfunc_end2:
_tile_overlayer_lowered:
.L_overlay_start_2:
0xe6: {  	(tag) =	ssettag $0x2  }
0xe7: {  	s0 =	rddreg [dreg:$0x0];
	s2 =	stileid.u32  }
0xe8: {  	s1 =	rddreg [dreg:$0x1];
	p0 =	sne.s32 s2, $0x0  }
0xe9: {  	s3 =	rddreg [dreg:$0x2];
	[bflag:$0x3] =	sbarrier.arrive $0xFFFF;
	s2 =	simm.s32 @!p0 $0x1C03  }
0xea: {  	[timem:s3], [sflag:s2] =	dma.local @!p0 [hbm:s0], s1  }
0xeb: {  	s0 =	simm.s32 @!p0 $0x3  }
0xec: {  	_ =	swait.ge @!p0 [sflag:s0], s1  }
0xed: {  	s1 =	ssub.s32 @!p0 $0x0, s1;
	[sflag:s0] =	ssyncset.done @!p0 $0x0  }
0xee: {  	[sflag:s0] =	ssyncadd.s32 @!p0 s1  }
0xef: {  	[bflag:$0x3] =	sbarrier.arrive $0xFFFF  }
0xf0: {  	_ =	shalt  }

// kernel: kernel.19.cloned.1.call-start
scs
__scs_entry_jumppad:
0x0: {  	(pc) =	sbr.rel $0x88, $3  }
0x1: {  	(tag) =	ssettag $0x0;
	lr =	simm.s32 $0x1  }
0x2: {  	[smem:$0x3F96] =	sst lr;
	_ =	strace $0xD0000000  }
0x3: {  	_ = 	snop  }
0x4: {  	_ = 	snop  }
0x5: {  	_ = 	snop  }
0x6: {  	_ = 	snop  }
0x7: {  	_ = 	snop  }
__scs_overlays_trampoline_lowered:
0x8: {  	[smem:$0x3FA5] =	sst s0  }
0x9: {  	[smem:$0x3FA6] =	sst s1  }
0xa: {  	[smem:$0x3FA7] =	sst s2  }
0xb: {  	[smem:$0x3FA8] =	sst s3  }
0xc: {  	[smem:$0x3FA9] =	sst s4  }
0xd: {  	[smem:$0x3FAA] =	sst s5  }
0xe: {  	[smem:$0x3FAB] =	sst s6  }
0xf: {  	[smem:$0x3FAC] =	sst s7  }
0x10: {  	[smem:$0x3FAD] =	sst s8  }
0x11: {  	[smem:$0x3FAE] =	sst s9;
	s0 =	simm.s32 @!p0 $0x0  }
0x12: {  	s1 =	sld [smem:$0x3F94];
	s0 =	simm.s32 @p0 $0x1  }
0x13: {  	[smem:$0x3FAF] =	sst s0;
	s0 =	simm.s32 @!p1 $0x0  }
0x14: {  	s2 =	sld [smem:$0x3F93];
	s0 =	simm.s32 @p1 $0x1  }
0x15: {  	[smem:$0x3FB0] =	sst s0;
	s0 =	simm.s32 @!p2 $0x0  }
0x16: {  	s3 =	sld [smem:$0x3FDB];
	s0 =	simm.s32 @p2 $0x1  }
0x17: {  	s4 =	simm.s32 $0x1BF5;
	[smem:$0x3FB2] =	sst s0  }
0x18: {  	s0 =	sld [smem:$0x3F95];
	_ =	swait.ge [sflag:s4], $0x0  }
0x19: {  	s7 =	sld [smem:$0x3F96]  }
0x1a: {  	s8 =	sadd.s32 $0xFFFFE003, lr  }
0x1b: {  	s9 =	sadd.s32 $0xFFFFFEF7, lr;
	s5 =	simm.s32 $0xFFFFFFFF;
	p2 =	slt.u32 s8, $0xFFFFF086  }
0x1c: {  	p1 =	slt.u32 s9, $0xF7A;
	s5 =	simm.s32 @!p2 $0x0  }
0x1d: {  	s5 =	simm.s32 @p1 $0x1;
	p0 =	seq.s32 s7, s2  }
0x1e: {  	s7 =	smul.u32 @!p0 $0xF7A, s2;
	p2 =	seq.s32 @!p0 s5, $0x0  }
0x1f: {  	s9 =	smul.u32 $0xF7A, s1;
	s8 =	simm.s32 @!p0 $0x1BF5;
	p2 =	por !p2, p0  }
0x20: {  	[sflag:s8] =	ssyncset.s32 @!p0 $0xFFFFF086;
	s6 =	sadd.s32 @!p0 s3, s7;
	s7 =	simm.s32 @!p0 $0x108  }
0x21: {  	s3 =	sadd.s32 s3, s9;
	s6 =	sadd.s32 @!p0 $0x88, s6;
	s7 =	simm.s32 @p2 $0x1082  }
0x22: {  	[simem:s7], [sflag:s8] =	dma.local @!p0 [hbm:s6], $0xF7A  }
0x23: {  	s9 =	sor.u32 $0xD0000000, s2;
	s6 =	simm.s32 $0x108;
	_ =	swait.ge @!p0 [sflag:s8], $0x0  }
0x24: {  	s3 =	sadd.s32 $0x88, s3;
	s6 =	simm.s32 @!p1 $0x1082;
	[sflag:s4] =	ssyncset.s32 $0xFFFFF086  }
0x25: {  	[simem:s6], [sflag:s4] =	dma.local [hbm:s3], $0xF7A  }
0x26: {  	[smem:$0x3F96] =	sst s1;
	(tag) =	ssettag s2;
	_ =	strace s9  }
0x27: {  	s1 =	sld [smem:$0x3FA6]  }
0x28: {  	s2 =	sld [smem:$0x3FA7]  }
0x29: {  	s4 =	sld [smem:$0x3FA9]  }
0x2a: {  	p0 =	seq.s32 s5, $0x0;
	s5 =	sld [smem:$0x3FAA]  }
0x2b: {  	s6 =	sld [smem:$0x3FAB]  }
0x2c: {  	s7 =	sld [smem:$0x3FAC]  }
0x2d: {  	s3 =	simm.s32 $0x108;
	s8 =	sld [smem:$0x3FAD]  }
0x2e: {  	s3 =	simm.s32 @!p0 $0x1082;
	s9 =	sld [smem:$0x3FAE]  }
0x2f: {  	lr =	sadd.s32 s0, s3;
	s0 =	sld [smem:$0x3FA5]  }
0x30: {  	s3 =	sld [smem:$0x3FA8]  }
0x31: {  	[smem:$0x3FB1] =	sst s10  }
0x32: {  	s10 =	sld [smem:$0x3FAF];
	_ =	sdelay $0x3  }
0x33: {  	p0 =	seq.s32 s10, $0x1;
	s10 =	sld [smem:$0x3FB1];
	_ =	sdelay $0x3  }
0x34: {  	[smem:$0x3FB1] =	sst s10  }
0x35: {  	s10 =	sld [smem:$0x3FB0];
	_ =	sdelay $0x3  }
0x36: {  	p1 =	seq.s32 s10, $0x1;
	s10 =	sld [smem:$0x3FB1];
	_ =	sdelay $0x3  }
0x37: {  	[smem:$0x3FB1] =	sst s10  }
0x38: {  	s10 =	sld [smem:$0x3FB2]  }
0x39: {  	_ = 	snop;
	(pc) =	sbr.ind lr, $3  }
0x3a: {  	_ = 	snop  }
0x3b: {  	_ = 	snop  }
0x3c: {  	p2 =	seq.s32 s10, $0x1;
	s10 =	sld [smem:$0x3FB1]  }
0x3d: {  	_ =	shalt  }
0x3e: {  	_ =	shalt  }
0x3f: {  	_ =	shalt  }
0x40: {  	_ =	shalt  }
0x41: {  	_ =	shalt  }
0x42: {  	_ =	shalt  }
0x43: {  	_ =	shalt  }
0x44: {  	_ =	shalt  }
0x45: {  	_ =	shalt  }
0x46: {  	_ =	shalt  }
0x47: {  	_ =	shalt  }
0x48: {  	_ =	shalt  }
0x49: {  	_ =	shalt  }
0x4a: {  	_ =	shalt  }
0x4b: {  	_ =	shalt  }
0x4c: {  	_ =	shalt  }
0x4d: {  	_ =	shalt  }
0x4e: {  	_ =	shalt  }
0x4f: {  	_ =	shalt  }
0x50: {  	_ =	shalt  }
0x51: {  	_ =	shalt  }
0x52: {  	_ =	shalt  }
0x53: {  	_ =	shalt  }
0x54: {  	_ =	shalt  }
0x55: {  	_ =	shalt  }
0x56: {  	_ =	shalt  }
0x57: {  	_ =	shalt  }
0x58: {  	_ =	shalt  }
0x59: {  	_ =	shalt  }
0x5a: {  	_ =	shalt  }
0x5b: {  	_ =	shalt  }
0x5c: {  	_ =	shalt  }
0x5d: {  	_ =	shalt  }
0x5e: {  	_ =	shalt  }
0x5f: {  	_ =	shalt  }
0x60: {  	_ =	shalt  }
0x61: {  	_ =	shalt  }
0x62: {  	_ =	shalt  }
0x63: {  	_ =	shalt  }
0x64: {  	_ =	shalt  }
0x65: {  	_ =	shalt  }
0x66: {  	_ =	shalt  }
0x67: {  	_ =	shalt  }
0x68: {  	_ =	shalt  }
0x69: {  	_ =	shalt  }
0x6a: {  	_ =	shalt  }
0x6b: {  	_ =	shalt  }
0x6c: {  	_ =	shalt  }
0x6d: {  	_ =	shalt  }
0x6e: {  	_ =	shalt  }
0x6f: {  	_ =	shalt  }
0x70: {  	_ =	shalt  }
0x71: {  	_ =	shalt  }
0x72: {  	_ =	shalt  }
0x73: {  	_ =	shalt  }
0x74: {  	_ =	shalt  }
0x75: {  	_ =	shalt  }
0x76: {  	_ =	shalt  }
0x77: {  	_ =	shalt  }
0x78: {  	_ =	shalt  }
0x79: {  	_ =	shalt  }
0x7a: {  	_ =	shalt  }
0x7b: {  	_ =	shalt  }
0x7c: {  	_ =	shalt  }
0x7d: {  	_ =	shalt  }
0x7e: {  	_ =	shalt  }
0x7f: {  	_ =	shalt  }
0x80: {  	_ =	shalt  }
0x81: {  	_ =	shalt  }
0x82: {  	_ =	shalt  }
0x83: {  	_ =	shalt  }
0x84: {  	_ =	shalt  }
0x85: {  	_ =	shalt  }
0x86: {  	_ =	shalt  }
0x87: {  	_ =	shalt  }
.Lfunc_end0:
.L_simem_size_0:
called_computation.3_lowered:
.L_overlay_start_0:
0x88: {  	s2 =	sld [smem:$0x3FD9]  }
0x89: {  	s3 =	sld [smem:$0x3FFE];
	_ =	sdelay $0x1  }
0x8a: {  	s1 =	srdreg.scid  }
0x8b: {  	s0 =	sand.u32 $0x1, s1  }
0x8c: {  	s16 =	sshll.u32 s0, $0xA;
	s2 =	sadd.s32 s3, s2  }
0x8d: {  	s2 =	sadd.s32 s2, s16  }
0x8e: {  	[smem:$0x3FBD] =	sst s2  }
0x8f: {  	_ = 	snop  }
0x90: {  	(tm) =	ssettm $0x1  }
0x91: {  	s17 =	sld [smem:$0x3FFB];
	_ =	sdelay $0x3  }
0x92: {  	_ =	strace s17  }
0x93: {  	s2 =	sld [smem:$0x3FFC];
	_ =	sdelay $0x3  }
0x94: {  	_ =	strace s2  }
0x95: {  	s2 =	sld [smem:$0x3FFD];
	_ =	sdelay $0x3  }
0x96: {  	_ =	strace s2  }
0x97: {  	_ =	strace $0x8FFFFFFF  }
0x98: {  	s18 =	sld [smem:$0x3FDB];
	_ =	sdelay $0x1  }
0x99: {  	s19 =	simm.s32 $_scs_section_size  }
0x9a: {  	s4 =	simm.s32 $_size__tile_overlayer_lowered;
	s5 =	simm.s32 $_tile_overlayer_lowered  }
0x9b: {  	s22 =	simm.s32 $0x1BFF;
	s21 =	sshll.u32 s5, $0x1;
	s2 =	sadd.s32 s19, s18  }
0x9c: {  	s6 =	simm.s32 $0x0;
	s20 =	sshll.u32 s4, $0x1;
	s4 =	sadd.s32 s21, s2  }
0x9d: {  	[timem:s6], [sflag:s22] =	dma.local [hbm:s4], s20  }
0x9e: {  	_ =	swait.ge [sflag:s22], s20  }
0x9f: {  	s3 =	ssub.s32 $0x0, s20;
	[sflag:s22] =	ssyncset.done $0x0  }
0xa0: {  	[sflag:s22] =	ssyncadd.s32 s3;
	_ =	sdelay $0x1  }
0xa1: {  	s23 =	simm.s32 $0x1B8B  }
0xa2: {  	_ =	swait.ge [sflag:s23], $0x1  }
0xa3: {  	[sflag:s23] =	ssyncset.done $0x0  }
0xa4: {  	s25 =	simm.s32 $0x1B8E;
	s24 =	sld [smem:$0x3FFE];
	[sflag:s23] =	ssyncadd.s32 $0xFFFFFFFF  }
0xa5: {  	s26 =	simm.s32 $execute0_lowered;
	[smem:$0x3FD2] =	sst s25  }
0xa6: {  	s4 =	sshll.u32 s26, $0x1;
	_ =	strace $0x8000004C;
	[dreg:$0x1] =	wrdreg $0xFFFFFFFF  }
0xa7: {  	s28 =	simm.s32 $_size_execute0_lowered;
	s2 =	sadd.s32 s2, s4;
	[dreg:$0x0] =	wrdreg $0x0  }
0xa8: {  	s4 =	sshll.u32 s28, $0x1;
	[dreg:$0x2] =	wrdreg s2  }
0xa9: {  	[dreg:$0x3] =	wrdreg s4  }
0xaa: {  	[dreg:$0x4] =	wrdreg $0xC0  }
0xab: {  	_ =	task [dreg:s6], $0x5FFFF  }
0xac: {  	[dreg:$0x1] =	wrdreg $0xFFFFFFFF  }
0xad: {  	[dreg:$0x0] =	wrdreg $0x60  }
0xae: {  	[dreg:$0x2] =	wrdreg s24  }
0xaf: {  	[dreg:$0x3] =	wrdreg $0xA  }
0xb0: {  	_ =	task.clear_ibuf [dreg:s6], $0x4FFFF;
	_ =	strace $0x9000004C  }
0xb1: {  	s29 =	simm.s32 $0xA;
	_ =	strace $0x8000004E  }
0xb2: {  	_ =	swait.ge [sflag:s29], $0x1  }
0xb3: {  	[sflag:s29] =	ssyncadd.s32 $0xFFFFFFFF  }
0xb4: {  	_ =	strace $0x9000004E  }
0xb5: {  	_ =	sfence  }
0xb6: {  	s30 =	sld [smem:$0x0];
	_ =	sdelay $0x2  }
0xb7: {  	s31 =	sshll.u32 s1, $0xD;
	s1 =	sshrl.u32 s1, $0x2  }
0xb8: {  	s3 =	sand.u32 $0x4000, s31;
	s1 =	sadd.s32 s1, s30  }
0xb9: {  	s0 =	sor.u32 s3, s0;
	s1 =	sshll.u32 s1, $0x11  }
0xba: {  	s0 =	sor.u32 s1, s0  }
0xbb: {  	s0 =	sadd.s32 $0x8F2B, s0  }
0xbc: {  	[sflag:s0] =	ssyncadd.remote.s32 $0x1  }
0xbd: {  	_ =	sfence.sel $0xFFFF  }
0xbe: {  	[dreg:$0x0] =	wrdreg $0xFFFFFFFF;
	(pc) =	sbr.abs _section_cstart, $3  }
0xbf: {  	[dreg:$0x1] =	wrdreg $0xFFFFFFFF  }
0xc0: {  	_ =	task.clear_ibuf [dreg:s6], $0x2FFFF;
	_ =	strace $0x9FFFFFFF  }
0xc1: {  	(tm) =	ssettm $0x7FFFFFFF  }
tec
execute0_lowered:
.L_overlay_start_1:
0x0: {  	(tag) =	ssettag $0x1  }
0x1: {  	s0 =	rddreg [dreg:$0x0];
	s2 =	simm.s32 $0x0  }
0x2: {  	s1 =	srdreg.scid;
	[smem:$0x7FF] =	sst s2;
	s6 =	sadd.s32 $0x101A00, s0  }
0x3: {  	s7 =	sadd.s32 $0x241A00, s0;
	_ =	strace $0x8000004D;
	[dreg:$0x2] =	wrdreg s6  }
0x4: {  	s8 =	stileid.u32;
	s9 =	simm.s32 $0x1200;
	[dreg:$0x3] =	wrdreg s7  }
0x5: {  	s11 =	simm.s32 $0x1A00;
	s12 =	simm.s32 $0x2200;
	[dreg:$0x4] =	wrdreg s9  }
0x6: {  	s13 =	simm.s32 $0x2A00;
	s15 =	simm.s32 $0x3200;
	[dreg:$0x5] =	wrdreg s11  }
0x7: {  	s16 =	simm.s32 $0x3A00;
	s18 =	simm.s32 $0x4200;
	[dreg:$0x6] =	wrdreg s12  }
0x8: {  	s19 =	simm.s32 $0x4A00;
	s21 =	simm.s32 $0x5200;
	[dreg:$0x7] =	wrdreg s13  }
0x9: {  	s22 =	simm.s32 $0x5A00;
	s23 =	simm.s32 $0x6200;
	[dreg:$0x8] =	wrdreg s15  }
0xa: {  	s24 =	simm.s32 $0x6A00;
	s25 =	simm.s32 $0x7200;
	[dreg:$0x9] =	wrdreg s16  }
0xb: {  	s26 =	simm.s32 $0x7A00;
	s28 =	simm.s32 $0xFA00;
	[dreg:$0xa] =	wrdreg s18  }
0xc: {  	s29 =	simm.s32 $0x10200;
	s30 =	simm.s32 $0x1;
	[dreg:$0xb] =	wrdreg s19  }
0xd: {  	s31 =	simm.s32 $0x2;
	s1 =	sand.u32 $0x1, s1;
	[dreg:$0xc] =	wrdreg s21  }
0xe: {  	s3 =	sshll.u32 s8, $0x1;
	s17 =	smul.u32 $0xA0000, s8;
	[dreg:$0xd] =	wrdreg s22  }
0xf: {  	s4 =	sor.u32 s1, s3;
	s3 =	sadd.s32 $0x2200, s0;
	[dreg:$0xe] =	wrdreg s23  }
0x10: {  	s10 =	ssub.s32 $0x2, s1;
	s1 =	smul.u32 $0x50000, s1;
	[dreg:$0xf] =	wrdreg s24  }
0x11: {  	s9 =	simm.s32 $0x3;
	s11 =	simm.s32 $0xA00;
	[dreg:$0x10] =	wrdreg s25  }
0x12: {  	[dreg:$0x11] =	wrdreg s26;
	s12 =	simm.s32 $0x8200;
	s13 =	simm.s32 $0x8A00  }
0x13: {  	s15 =	simm.s32 $0x9A00;
	s16 =	simm.s32 $0xA200;
	s18 =	simm.s32 $0xB200  }
0x14: {  	s19 =	simm.s32 $0xBA00;
	s21 =	simm.s32 $0xCA00;
	s22 =	simm.s32 $0xD200  }
0x15: {  	s23 =	simm.s32 $0xDA00;
	s24 =	simm.s32 $0xE200;
	s25 =	simm.s32 $0xEA00  }
0x16: {  	s26 =	simm.s32 $0xF200;
	s5 =	smul.u32 $0xA0, s4;
	s7 =	sshrl.u32 s10, $0x1  }
0x17: {  	s4 =	sadd.s32 $0x50400, s0;
	s7 =	ssub.s32 s10, s7;
	s1 =	sadd.s32 s1, s17  }
0x18: {  	s17 =	simm.s32 $0xAA00;
	s0 =	sadd.s32 s5, s0;
	s20 =	smax.u32 s7, $0x1  }
0x19: {  	v2 =	vlaneseq.u32;
	s10 =	sshrl.u32 s1, $0x3;
	s14 =	sadd.s32 $0xFCA00, s0;
	[dreg:$0x14] =	wrdreg s20  }
0x1a: {  	vm0 =	vmmov $0xffff;
	v1 =	vshrl.u32 v2, $0x3;
	s0 =	sadd.s32 $0xFDE00, s0;
	s20 =	simm.s32 $0xC200;
	[dreg:$0x12] =	wrdreg s14  }
0x1b: {  	v0 =	vand.u32 $0x7, v2;
	v2 =	vor.u32 $0x8, v2;
	v1 =	vmul.u32 $0x8, v1;
	[dreg:$0x13] =	wrdreg s0;
	s14 =	simm.s32 $0x9200;
	s0 =	simm.s32 $0x0  }
.LBB2_1:
0x1c: {  	s1 =	rddreg [dreg:$0x12]  }
0x1d: {  	[tilespmem:s2], [sflag:$0x3] =	stream.linear.gather [hbm4b:s1+s2], $0x500, $0x38;
	[tilespmem:$0x10A00] =	vst v63  }
0x1e: {  	_ =	swait.ge [sflag:s9], $0x500  }
0x1f: {  	[sflag:s9] =	ssyncset.done $0x0  }
0x20: {  	s5 =	simm.s32 $0x500;
	s8 =	rddreg [dreg:$0x13];
	[sflag:s9] =	ssyncadd.s32 $0xFFFFFB00  }
0x21: {  	[tilespmem:s5], [sflag:$0x3] =	stream.linear.gather [hbm4b:s8+s2], $0x500, $0x38;
	[tilespmem:$0x10A00] =	vst v63  }
0x22: {  	_ =	swait.ge [sflag:s9], $0x500  }
0x23: {  	[sflag:s9] =	ssyncset.done $0x0  }
0x24: {  	s1 =	simm.s32 $0x0;
	s8 =	smov.u32 s10;
	[sflag:s9] =	ssyncadd.s32 $0xFFFFFB00  }
.LBB2_2:
0x25: {  	s5 =	sshra.s32 s1, $0x2  }
0x26: {  	v3 =	vld [tilespmem:s5+$0x0];
	_ =	sdelay $0x4  }
0x27: {  	v4 =	vshll.u32 v3, $0x1  }
0x28: {  	v3 =	vand.u32 $0x7, v3;
	v4 =	vand.u32 $0xFFFFFFF0, v4  }
0x29: {  	v3 =	vor.u32 v3, v4  }
0x2a: {  	v4 =	vperm.xlane v3, v0;
	_ =	sdelay $0x1  }
0x2b: {  	v3 =	vperm.xlane v3, v2;
	v4 =	vadd.s32 v1, v4;
	_ =	sdelay $0x1  }
0x2c: {  	v3 =	vadd.s32 v1, v3;
	_ =	sdelay $0x2  }
0x2d: {  	[tilespmem:s11], [sflag:$0x1] =	stream.indirect_vreg.gather [hbm4b:s3+s2], $0x80, v4, vm0, $0xb8;
	[tilespmem:$0x10A00] =	vst v63  }
0x2e: {  	s6 =	rddreg [dreg:$0x4]  }
0x2f: {  	[tilespmem:s6], [sflag:$0x1] =	stream.indirect_vreg.gather [hbm4b:s3+s2], $0x80, v3, vm0, $0xb8;
	[tilespmem:$0x10A00] =	vst v63  }
0x30: {  	v3 =	vld [tilespmem:s5+$0x10];
	_ =	sdelay $0x4  }
0x31: {  	v49 =	vshll.u32 v3, $0x1  }
0x32: {  	v3 =	vand.u32 $0x7, v3;
	v4 =	vand.u32 $0xFFFFFFF0, v49  }
0x33: {  	v3 =	vor.u32 v3, v4  }
0x34: {  	v4 =	vperm.xlane v3, v0;
	_ =	sdelay $0x1  }
0x35: {  	v3 =	vperm.xlane v3, v2;
	v4 =	vadd.s32 v1, v4;
	_ =	sdelay $0x1  }
0x36: {  	v3 =	vadd.s32 v1, v3;
	_ =	sdelay $0x1  }
0x37: {  	s6 =	rddreg [dreg:$0x5]  }
0x38: {  	[tilespmem:s6], [sflag:$0x1] =	stream.indirect_vreg.gather [hbm4b:s3+s2], $0x80, v4, vm0, $0xb8;
	[tilespmem:$0x10A00] =	vst v63  }
0x39: {  	s7 =	rddreg [dreg:$0x6]  }
0x3a: {  	[tilespmem:s7], [sflag:$0x1] =	stream.indirect_vreg.gather [hbm4b:s3+s2], $0x80, v3, vm0, $0xb8;
	[tilespmem:$0x10A00] =	vst v63  }
0x3b: {  	v3 =	vld [tilespmem:s5+$0x20];
	_ =	sdelay $0x4  }
0x3c: {  	v50 =	vshll.u32 v3, $0x1  }
0x3d: {  	v3 =	vand.u32 $0x7, v3;
	v4 =	vand.u32 $0xFFFFFFF0, v50  }
0x3e: {  	v3 =	vor.u32 v3, v4  }
0x3f: {  	v4 =	vperm.xlane v3, v0;
	_ =	sdelay $0x1  }
0x40: {  	v3 =	vperm.xlane v3, v2;
	v4 =	vadd.s32 v1, v4;
	_ =	sdelay $0x1  }
0x41: {  	v3 =	vadd.s32 v1, v3;
	_ =	sdelay $0x1  }
0x42: {  	s6 =	rddreg [dreg:$0x7]  }
0x43: {  	[tilespmem:s6], [sflag:$0x1] =	stream.indirect_vreg.gather [hbm4b:s3+s2], $0x80, v4, vm0, $0xb8;
	[tilespmem:$0x10A00] =	vst v63  }
0x44: {  	s7 =	rddreg [dreg:$0x8]  }
0x45: {  	[tilespmem:s7], [sflag:$0x1] =	stream.indirect_vreg.gather [hbm4b:s3+s2], $0x80, v3, vm0, $0xb8;
	[tilespmem:$0x10A00] =	vst v63  }
0x46: {  	v3 =	vld [tilespmem:s5+$0x30];
	_ =	sdelay $0x4  }
0x47: {  	v51 =	vshll.u32 v3, $0x1  }
0x48: {  	v3 =	vand.u32 $0x7, v3;
	v4 =	vand.u32 $0xFFFFFFF0, v51  }
0x49: {  	v3 =	vor.u32 v3, v4  }
0x4a: {  	v4 =	vperm.xlane v3, v0;
	_ =	sdelay $0x1  }
0x4b: {  	v3 =	vperm.xlane v3, v2;
	v4 =	vadd.s32 v1, v4;
	_ =	sdelay $0x1  }
0x4c: {  	v3 =	vadd.s32 v1, v3;
	_ =	sdelay $0x1  }
0x4d: {  	s6 =	rddreg [dreg:$0x9]  }
0x4e: {  	[tilespmem:s6], [sflag:$0x1] =	stream.indirect_vreg.gather [hbm4b:s3+s2], $0x80, v4, vm0, $0xb8;
	[tilespmem:$0x10A00] =	vst v63  }
0x4f: {  	s7 =	rddreg [dreg:$0xa]  }
0x50: {  	[tilespmem:s7], [sflag:$0x1] =	stream.indirect_vreg.gather [hbm4b:s3+s2], $0x80, v3, vm0, $0xb8;
	[tilespmem:$0x10A00] =	vst v63  }
0x51: {  	v3 =	vld [tilespmem:s5+$0x40];
	_ =	sdelay $0x4  }
0x52: {  	v52 =	vshll.u32 v3, $0x1  }
0x53: {  	v3 =	vand.u32 $0x7, v3;
	v4 =	vand.u32 $0xFFFFFFF0, v52  }
0x54: {  	v3 =	vor.u32 v3, v4  }
0x55: {  	v4 =	vperm.xlane v3, v0;
	_ =	sdelay $0x1  }
0x56: {  	v3 =	vperm.xlane v3, v2;
	v4 =	vadd.s32 v1, v4;
	_ =	sdelay $0x1  }
0x57: {  	v3 =	vadd.s32 v1, v3;
	_ =	sdelay $0x1  }
0x58: {  	s6 =	rddreg [dreg:$0xb]  }
0x59: {  	[tilespmem:s6], [sflag:$0x1] =	stream.indirect_vreg.gather [hbm4b:s3+s2], $0x80, v4, vm0, $0xb8;
	[tilespmem:$0x10A00] =	vst v63  }
0x5a: {  	s7 =	rddreg [dreg:$0xc]  }
0x5b: {  	[tilespmem:s7], [sflag:$0x1] =	stream.indirect_vreg.gather [hbm4b:s3+s2], $0x80, v3, vm0, $0xb8;
	[tilespmem:$0x10A00] =	vst v63  }
0x5c: {  	v3 =	vld [tilespmem:s5+$0x50];
	_ =	sdelay $0x4  }
0x5d: {  	v53 =	vshll.u32 v3, $0x1  }
0x5e: {  	v3 =	vand.u32 $0x7, v3;
	v4 =	vand.u32 $0xFFFFFFF0, v53  }
0x5f: {  	v3 =	vor.u32 v3, v4  }
0x60: {  	v4 =	vperm.xlane v3, v0;
	_ =	sdelay $0x1  }
0x61: {  	v3 =	vperm.xlane v3, v2;
	v4 =	vadd.s32 v1, v4;
	_ =	sdelay $0x1  }
0x62: {  	v3 =	vadd.s32 v1, v3;
	_ =	sdelay $0x1  }
0x63: {  	s6 =	rddreg [dreg:$0xd]  }
0x64: {  	[tilespmem:s6], [sflag:$0x1] =	stream.indirect_vreg.gather [hbm4b:s3+s2], $0x80, v4, vm0, $0xb8;
	[tilespmem:$0x10A00] =	vst v63  }
0x65: {  	s7 =	rddreg [dreg:$0xe]  }
0x66: {  	[tilespmem:s7], [sflag:$0x1] =	stream.indirect_vreg.gather [hbm4b:s3+s2], $0x80, v3, vm0, $0xb8;
	[tilespmem:$0x10A00] =	vst v63  }
0x67: {  	v3 =	vld [tilespmem:s5+$0x60];
	_ =	sdelay $0x4  }
0x68: {  	v54 =	vshll.u32 v3, $0x1  }
0x69: {  	v3 =	vand.u32 $0x7, v3;
	v4 =	vand.u32 $0xFFFFFFF0, v54  }
0x6a: {  	v3 =	vor.u32 v3, v4  }
0x6b: {  	v4 =	vperm.xlane v3, v0;
	_ =	sdelay $0x1  }
0x6c: {  	v3 =	vperm.xlane v3, v2;
	v4 =	vadd.s32 v1, v4;
	_ =	sdelay $0x1  }
0x6d: {  	v3 =	vadd.s32 v1, v3;
	_ =	sdelay $0x1  }
0x6e: {  	s6 =	rddreg [dreg:$0xf]  }
0x6f: {  	[tilespmem:s6], [sflag:$0x1] =	stream.indirect_vreg.gather [hbm4b:s3+s2], $0x80, v4, vm0, $0xb8;
	[tilespmem:$0x10A00] =	vst v63  }
0x70: {  	s7 =	rddreg [dreg:$0x10]  }
0x71: {  	[tilespmem:s7], [sflag:$0x1] =	stream.indirect_vreg.gather [hbm4b:s3+s2], $0x80, v3, vm0, $0xb8;
	[tilespmem:$0x10A00] =	vst v63  }
0x72: {  	v3 =	vld [tilespmem:s5+$0x70];
	_ =	sdelay $0x4  }
0x73: {  	v55 =	vshll.u32 v3, $0x1  }
0x74: {  	v3 =	vand.u32 $0x7, v3;
	v4 =	vand.u32 $0xFFFFFFF0, v55  }
0x75: {  	v3 =	vor.u32 v3, v4  }
0x76: {  	v4 =	vperm.xlane v3, v0;
	_ =	sdelay $0x1  }
0x77: {  	v3 =	vperm.xlane v3, v2;
	v4 =	vadd.s32 v1, v4;
	_ =	sdelay $0x1  }
0x78: {  	v3 =	vadd.s32 v1, v3;
	_ =	sdelay $0x1  }
0x79: {  	s7 =	rddreg [dreg:$0x11]  }
0x7a: {  	[tilespmem:s7], [sflag:$0x1] =	stream.indirect_vreg.gather [hbm4b:s3+s2], $0x80, v4, vm0, $0xb8;
	[tilespmem:$0x10A00] =	vst v63  }
0x7b: {  	_ = 	snop  }
0x7c: {  	[tilespmem:s12], [sflag:$0x1] =	stream.indirect_vreg.gather [hbm4b:s3+s2], $0x80, v3, vm0, $0xb8;
	[tilespmem:$0x10A00] =	vst v63  }
0x7d: {  	v3 =	vld [tilespmem:s5+$0x500];
	_ =	sdelay $0x4  }
0x7e: {  	v56 =	vshll.u32 v3, $0x1  }
0x7f: {  	v3 =	vand.u32 $0x7, v3;
	v4 =	vand.u32 $0xFFFFFFF0, v56  }
0x80: {  	v3 =	vor.u32 v3, v4  }
0x81: {  	v4 =	vperm.xlane v3, v0;
	_ =	sdelay $0x1  }
0x82: {  	v3 =	vperm.xlane v3, v2;
	v4 =	vadd.s32 v1, v4;
	_ =	sdelay $0x1  }
0x83: {  	v3 =	vadd.s32 v1, v3;
	_ =	sdelay $0x2  }
0x84: {  	[tilespmem:s13], [sflag:$0x2] =	stream.indirect_vreg.gather [hbm4b:s4+s2], $0x80, v4, vm0, $0xb8;
	[tilespmem:$0x10A00] =	vst v63  }
0x85: {  	_ = 	snop  }
0x86: {  	[tilespmem:s14], [sflag:$0x2] =	stream.indirect_vreg.gather [hbm4b:s4+s2], $0x80, v3, vm0, $0xb8;
	[tilespmem:$0x10A00] =	vst v63  }
0x87: {  	v3 =	vld [tilespmem:s5+$0x510];
	_ =	sdelay $0x4  }
0x88: {  	v57 =	vshll.u32 v3, $0x1  }
0x89: {  	v3 =	vand.u32 $0x7, v3;
	v4 =	vand.u32 $0xFFFFFFF0, v57  }
0x8a: {  	v3 =	vor.u32 v3, v4  }
0x8b: {  	v4 =	vperm.xlane v3, v0;
	_ =	sdelay $0x1  }
0x8c: {  	v3 =	vperm.xlane v3, v2;
	v4 =	vadd.s32 v1, v4;
	_ =	sdelay $0x1  }
0x8d: {  	v3 =	vadd.s32 v1, v3;
	_ =	sdelay $0x2  }
0x8e: {  	[tilespmem:s15], [sflag:$0x2] =	stream.indirect_vreg.gather [hbm4b:s4+s2], $0x80, v4, vm0, $0xb8;
	[tilespmem:$0x10A00] =	vst v63  }
0x8f: {  	_ = 	snop  }
0x90: {  	[tilespmem:s16], [sflag:$0x2] =	stream.indirect_vreg.gather [hbm4b:s4+s2], $0x80, v3, vm0, $0xb8;
	[tilespmem:$0x10A00] =	vst v63  }
0x91: {  	v3 =	vld [tilespmem:s5+$0x520];
	_ =	sdelay $0x4  }
0x92: {  	v58 =	vshll.u32 v3, $0x1  }
0x93: {  	v3 =	vand.u32 $0x7, v3;
	v4 =	vand.u32 $0xFFFFFFF0, v58  }
0x94: {  	v3 =	vor.u32 v3, v4  }
0x95: {  	v4 =	vperm.xlane v3, v0;
	_ =	sdelay $0x1  }
0x96: {  	v3 =	vperm.xlane v3, v2;
	v4 =	vadd.s32 v1, v4;
	_ =	sdelay $0x1  }
0x97: {  	v3 =	vadd.s32 v1, v3;
	_ =	sdelay $0x2  }
0x98: {  	[tilespmem:s17], [sflag:$0x2] =	stream.indirect_vreg.gather [hbm4b:s4+s2], $0x80, v4, vm0, $0xb8;
	[tilespmem:$0x10A00] =	vst v63  }
0x99: {  	_ = 	snop  }
0x9a: {  	[tilespmem:s18], [sflag:$0x2] =	stream.indirect_vreg.gather [hbm4b:s4+s2], $0x80, v3, vm0, $0xb8;
	[tilespmem:$0x10A00] =	vst v63  }
0x9b: {  	v3 =	vld [tilespmem:s5+$0x530];
	_ =	sdelay $0x4  }
0x9c: {  	v59 =	vshll.u32 v3, $0x1  }
0x9d: {  	v3 =	vand.u32 $0x7, v3;
	v4 =	vand.u32 $0xFFFFFFF0, v59  }
0x9e: {  	v3 =	vor.u32 v3, v4  }
0x9f: {  	v4 =	vperm.xlane v3, v0;
	_ =	sdelay $0x1  }
0xa0: {  	v3 =	vperm.xlane v3, v2;
	v4 =	vadd.s32 v1, v4;
	_ =	sdelay $0x1  }
0xa1: {  	v3 =	vadd.s32 v1, v3;
	_ =	sdelay $0x2  }
0xa2: {  	[tilespmem:s19], [sflag:$0x2] =	stream.indirect_vreg.gather [hbm4b:s4+s2], $0x80, v4, vm0, $0xb8;
	[tilespmem:$0x10A00] =	vst v63  }
0xa3: {  	_ = 	snop  }
0xa4: {  	[tilespmem:s20], [sflag:$0x2] =	stream.indirect_vreg.gather [hbm4b:s4+s2], $0x80, v3, vm0, $0xb8;
	[tilespmem:$0x10A00] =	vst v63  }
0xa5: {  	v3 =	vld [tilespmem:s5+$0x540];
	_ =	sdelay $0x4  }
0xa6: {  	v60 =	vshll.u32 v3, $0x1  }
0xa7: {  	v3 =	vand.u32 $0x7, v3;
	v4 =	vand.u32 $0xFFFFFFF0, v60  }
0xa8: {  	v3 =	vor.u32 v3, v4  }
0xa9: {  	v4 =	vperm.xlane v3, v0;
	_ =	sdelay $0x1  }
0xaa: {  	v3 =	vperm.xlane v3, v2;
	v4 =	vadd.s32 v1, v4;
	_ =	sdelay $0x1  }
0xab: {  	v3 =	vadd.s32 v1, v3;
	_ =	sdelay $0x2  }
0xac: {  	[tilespmem:s21], [sflag:$0x2] =	stream.indirect_vreg.gather [hbm4b:s4+s2], $0x80, v4, vm0, $0xb8;
	[tilespmem:$0x10A00] =	vst v63  }
0xad: {  	_ = 	snop  }
0xae: {  	[tilespmem:s22], [sflag:$0x2] =	stream.indirect_vreg.gather [hbm4b:s4+s2], $0x80, v3, vm0, $0xb8;
	[tilespmem:$0x10A00] =	vst v63  }
0xaf: {  	v3 =	vld [tilespmem:s5+$0x550];
	_ =	sdelay $0x4  }
0xb0: {  	v61 =	vshll.u32 v3, $0x1  }
0xb1: {  	v3 =	vand.u32 $0x7, v3;
	v4 =	vand.u32 $0xFFFFFFF0, v61  }
0xb2: {  	v3 =	vor.u32 v3, v4  }
0xb3: {  	v4 =	vperm.xlane v3, v0;
	_ =	sdelay $0x1  }
0xb4: {  	v3 =	vperm.xlane v3, v2;
	v4 =	vadd.s32 v1, v4;
	_ =	sdelay $0x1  }
0xb5: {  	v3 =	vadd.s32 v1, v3;
	_ =	sdelay $0x2  }
0xb6: {  	[tilespmem:s23], [sflag:$0x2] =	stream.indirect_vreg.gather [hbm4b:s4+s2], $0x80, v4, vm0, $0xb8;
	[tilespmem:$0x10A00] =	vst v63  }
0xb7: {  	_ = 	snop  }
0xb8: {  	[tilespmem:s24], [sflag:$0x2] =	stream.indirect_vreg.gather [hbm4b:s4+s2], $0x80, v3, vm0, $0xb8;
	[tilespmem:$0x10A00] =	vst v63  }
0xb9: {  	v3 =	vld [tilespmem:s5+$0x560];
	_ =	sdelay $0x4  }
0xba: {  	v62 =	vshll.u32 v3, $0x1  }
0xbb: {  	v3 =	vand.u32 $0x7, v3;
	v4 =	vand.u32 $0xFFFFFFF0, v62  }
0xbc: {  	v3 =	vor.u32 v3, v4  }
0xbd: {  	v4 =	vperm.xlane v3, v0;
	_ =	sdelay $0x1  }
0xbe: {  	v3 =	vperm.xlane v3, v2;
	v4 =	vadd.s32 v1, v4;
	_ =	sdelay $0x1  }
0xbf: {  	v3 =	vadd.s32 v1, v3;
	_ =	sdelay $0x2  }
0xc0: {  	[tilespmem:s25], [sflag:$0x2] =	stream.indirect_vreg.gather [hbm4b:s4+s2], $0x80, v4, vm0, $0xb8;
	[tilespmem:$0x10A00] =	vst v63  }
0xc1: {  	_ = 	snop  }
0xc2: {  	[tilespmem:s26], [sflag:$0x2] =	stream.indirect_vreg.gather [hbm4b:s4+s2], $0x80, v3, vm0, $0xb8;
	[tilespmem:$0x10A00] =	vst v63  }
0xc3: {  	v3 =	vld [tilespmem:s5+$0x570];
	_ =	sdelay $0x4  }
0xc4: {  	v63 =	vshll.u32 v3, $0x1  }
0xc5: {  	v3 =	vand.u32 $0x7, v3;
	v4 =	vand.u32 $0xFFFFFFF0, v63  }
0xc6: {  	v3 =	vor.u32 v3, v4  }
0xc7: {  	v4 =	vperm.xlane v3, v0;
	_ =	sdelay $0x1  }
0xc8: {  	v3 =	vperm.xlane v3, v2;
	v4 =	vadd.s32 v1, v4;
	_ =	sdelay $0x1  }
0xc9: {  	v3 =	vadd.s32 v1, v3;
	_ =	sdelay $0x2  }
0xca: {  	[tilespmem:s28], [sflag:$0x2] =	stream.indirect_vreg.gather [hbm4b:s4+s2], $0x80, v4, vm0, $0xb8;
	[tilespmem:$0x10A00] =	vst v63  }
0xcb: {  	_ = 	snop  }
0xcc: {  	[tilespmem:s29], [sflag:$0x2] =	stream.indirect_vreg.gather [hbm4b:s4+s2], $0x80, v3, vm0, $0xb8;
	[tilespmem:$0x10A00] =	vst v63  }
0xcd: {  	_ =	swait.ge [sflag:s30], $0x8000  }
0xce: {  	s6 =	rddreg [dreg:$0x2];
	[sflag:s30] =	ssyncset.done $0x0  }
0xcf: {  	[sflag:s30] =	ssyncadd.s32 $0xFFFF8000;
	s5 =	sadd.s32 s8, s6  }
0xd0: {  	[hbm4b:s5+s2] =	stream.linear.scatter [tilespmem:s11], [sflag:$0x3], $0x8000, $0x38;
	[tilespmem:$0x10A00] =	vst v63  }
0xd1: {  	_ =	swait.ge [sflag:s9], $0x8000  }
0xd2: {  	[sflag:s9] =	ssyncset.done $0x0  }
0xd3: {  	[sflag:s9] =	ssyncadd.s32 $0xFFFF8000  }
0xd4: {  	_ =	swait.ge [sflag:s31], $0x8000  }
0xd5: {  	p0 =	sne.s32 s1, $0x1200;
	s7 =	rddreg [dreg:$0x3];
	[sflag:s31] =	ssyncset.done $0x0  }
.Ltmp0:
0xd6: {  	[sflag:s31] =	ssyncadd.s32 $0xFFFF8000;
	s5 =	sadd.s32 s8, s7;
	(pc) =	sbr.rel @p0 .LBB2_2-.Ltmp0, $4  }
0xd7: {  	[hbm4b:s5+s2] =	stream.linear.scatter [tilespmem:s13], [sflag:$0x3], $0x8000, $0x38;
	[tilespmem:$0x10A00] =	vst v63  }
0xd8: {  	_ =	swait.ge [sflag:s9], $0x8000  }
0xd9: {  	[sflag:s9] =	ssyncset.done $0x0  }
0xda: {  	s1 =	sadd.s32 $0x200, s1;
	s8 =	sadd.s32 $0x1000, s8;
	[sflag:s9] =	ssyncadd.s32 $0xFFFF8000  }
0xdb: {  	s0 =	sadd.s32 $0x1, s0;
	s1 =	rddreg [dreg:$0x14]  }
0xdc: {  	p0 =	sne.s32 s0, s1  }
.Ltmp1:
0xdd: {  	_ = 	snop;
	(pc) =	sbr.rel @p0 .LBB2_1-.Ltmp1, $1  }
0xde: {  	_ =	sdelay $0x3  }
0xdf: {  	_ =	sfence.sel $0x180000  }
0xe0: {  	[bflag:$0x0] =	sbarrier.arrive $0xFFFF  }
0xe1: {  	_ =	strace $0x9000004D  }
0xe2: {  	s0 =	stileid.u32;
	[bflag:$0x2] =	sbarrier.arrive $0xFFFF  }
0xe3: {  	p0 =	sne.s32 s0, $0x0;
	s0 =	rddreg [dreg:$0x1]  }
0xe4: {  	s0 =	sadd.s32 @!p0 $0x100000, s0  }
0xe5: {  	[sflag:s0] =	ssyncadd.tile.s32 @!p0 $0x1;
	_ =	shalt  }
.Lfunc_end2:
_tile_overlayer_lowered:
.L_overlay_start_2:
0xe6: {  	(tag) =	ssettag $0x2  }
0xe7: {  	s0 =	rddreg [dreg:$0x0];
	s2 =	stileid.u32  }
0xe8: {  	s1 =	rddreg [dreg:$0x1];
	p0 =	sne.s32 s2, $0x0  }
0xe9: {  	s3 =	rddreg [dreg:$0x2];
	[bflag:$0x3] =	sbarrier.arrive $0xFFFF;
	s2 =	simm.s32 @!p0 $0x1C03  }
0xea: {  	[timem:s3], [sflag:s2] =	dma.local @!p0 [hbm:s0], s1  }
0xeb: {  	s0 =	simm.s32 @!p0 $0x3  }
0xec: {  	_ =	swait.ge @!p0 [sflag:s0], s1  }
0xed: {  	s1 =	ssub.s32 @!p0 $0x0, s1;
	[sflag:s0] =	ssyncset.done @!p0 $0x0  }
0xee: {  	[sflag:s0] =	ssyncadd.s32 @!p0 s1  }
0xef: {  	[bflag:$0x3] =	sbarrier.arrive $0xFFFF  }
0xf0: {  	_ =	shalt  }

</sc_bundles>
